<compile_context>
chip_gen: v7x
topology: tpu7x:2x2x1
jax: 0.10.2.dev20260603
libtpu: 0.0.44.dev20260713+nightly
codegen_flags: <defaults>
</compile_context>

<pallas_src>
import jax
import jax.numpy as jnp
from jax.experimental import pallas as pl

L = 8
D = 128
H = 32
PAD_IDX = 1000


def _sigmoid(a):
    return 0.5 * jnp.tanh(0.5 * a) + 0.5


def _bigru_kernel(x_ref, idsT_ref, wih_ref, whh_ref, bih_ref, bhh_ref,
                  out_ref):
    x = x_ref[...]
    wih = wih_ref[...]
    whh = whh_ref[...]
    bih = bih_ref[...]
    bhh = bhh_ref[...]

    xg = [
        jax.lax.dot_general(wih, x[:, t * D:(t + 1) * D],
                            (((1,), (1,)), ((), ())),
                            preferred_element_type=jnp.float32) + bih
        for t in range(L)
    ]

    not_pad = idsT_ref[0] != PAD_IDX
    masks = []
    m = not_pad[0:1, :]
    for t in range(L):
        if t > 0:
            m = jnp.logical_and(m, not_pad[t:t + 1, :])
        masks.append(m)

    def step(h, xg_dir, whh_dir, bhh_dir, mask):
        hg = jnp.dot(whh_dir, h, preferred_element_type=jnp.float32) + bhh_dir
        rz = _sigmoid(xg_dir[:2 * H] + hg[:2 * H])
        r = rz[:H]
        z = rz[H:]
        n = jnp.tanh(xg_dir[2 * H:] + r * hg[2 * H:])
        h_new = (1.0 - z) * n + z * h
        return jnp.where(mask, h_new, h)

    B = x.shape[0]
    h_f = jnp.zeros((H, B), jnp.float32)
    h_b = jnp.zeros((H, B), jnp.float32)
    for t in range(L):
        h_f = step(h_f, xg[t][:3 * H], whh[:3 * H], bhh[:3 * H], masks[t])
        s = L - 1 - t
        h_b = step(h_b, xg[s][3 * H:], whh[3 * H:], bhh[3 * H:], masks[s])

    out_ref[...] = jnp.swapaxes(h_f + h_b, 0, 1)


def kernel(subtokens_embed, node_ids, W_ih_f, W_hh_f, b_ih_f, b_hh_f,
           W_ih_b, W_hh_b, b_ih_b, b_hh_b):
    n = subtokens_embed.shape[0]
    x2 = subtokens_embed.reshape(n, L * D)

    wih = jnp.concatenate([W_ih_f, W_ih_b], axis=0)
    whh = jnp.concatenate([W_hh_f, W_hh_b], axis=0)
    bih = jnp.concatenate([b_ih_f, b_ih_b])[:, None]
    bhh = jnp.concatenate([b_hh_f, b_hh_b])[:, None]

    B = 2000
    pad = (-n) % B
    if pad:
        x2 = jnp.pad(x2, ((0, pad), (0, 0)))
        node_ids = jnp.pad(node_ids, ((0, pad), (0, 0)),
                           constant_values=PAD_IDX)
    n_pad = n + pad
    grid = n_pad // B
    ids3 = node_ids.reshape(grid, B, L).transpose(0, 2, 1)

    out = pl.pallas_call(
        _bigru_kernel,
        grid=(grid,),
        in_specs=[
            pl.BlockSpec((B, L * D), lambda i: (i, 0)),
            pl.BlockSpec((1, L, B), lambda i: (i, 0, 0)),
            pl.BlockSpec((6 * H, D), lambda i: (0, 0)),
            pl.BlockSpec((6 * H, H), lambda i: (0, 0)),
            pl.BlockSpec((6 * H, 1), lambda i: (0, 0)),
            pl.BlockSpec((6 * H, 1), lambda i: (0, 0)),
        ],
        out_specs=pl.BlockSpec((B, H), lambda i: (i, 0)),
        out_shape=jax.ShapeDtypeStruct((n_pad, H), jnp.float32),
    )(x2, ids3, wih, whh, bih, bhh)
    return out[:n]

# --- scband reference (transcript-rebuilt; emitter-appended) ---
"""Pipeline reference for scband-rnnlayer-65249143161439 (READ-ONLY COPY).

The authoritative reference and input builder live on the scoring server;
editing this copy changes nothing except your own understanding.
"""

import jax, jax.numpy as jnp
import numpy as np

N, L, D, H = 100000, 8, 128, 32
PAD_IDX = 1000


def setup_inputs(seed: int = 0) -> dict:
    key = jax.random.key(seed)
    ks = jax.random.split(key, 10)
    inp = {}
    inp["subtokens_embed"] = jax.random.normal(ks[0], (N, L, D), dtype=jnp.float32)
    inp["node_ids"] = jax.random.randint(ks[1], (N, L), 0, 1000, dtype=jnp.int32)
    scale = 1.0 / np.sqrt(H)
    def u(k, shape):
        return jax.random.uniform(k, shape, jnp.float32, -scale, scale)
    inp["W_ih_f"] = u(ks[2], (3 * H, D))
    inp["W_hh_f"] = u(ks[3], (3 * H, H))
    inp["b_ih_f"] = u(ks[4], (3 * H,))
    inp["b_hh_f"] = u(ks[5], (3 * H,))
    inp["W_ih_b"] = u(ks[6], (3 * H, D))
    inp["W_hh_b"] = u(ks[7], (3 * H, H))
    inp["b_ih_b"] = u(ks[8], (3 * H,))
    inp["b_hh_b"] = u(ks[9], (3 * H,))
    return inp


def _gru_dir(x, lengths, W_ih, W_hh, b_ih, b_hh, reverse):
    n = x.shape[0]
    L_ = x.shape[1]
    if reverse:
        # packed-sequence backward direction: reverse each row within its valid length
        t_idx = jnp.arange(L_)[None, :]
        rev_idx = jnp.clip(lengths[:, None] - 1 - t_idx, 0, L_ - 1)
        x = jnp.take_along_axis(x, rev_idx[:, :, None], axis=1)
    # precompute input projections for all timesteps
    xg = jnp.einsum('nld,gd->nlg', x, W_ih) + b_ih  # [n, L, 3H]
    h0 = jnp.zeros((n, W_hh.shape[1]), jnp.float32)

    def step(h, inputs):
        xg_t, t = inputs
        hg = h @ W_hh.T + b_hh
        r = jax.nn.sigmoid(xg_t[:, :H] + hg[:, :H])
        z = jax.nn.sigmoid(xg_t[:, H:2 * H] + hg[:, H:2 * H])
        ncand = jnp.tanh(xg_t[:, 2 * H:] + r * hg[:, 2 * H:])
        h_new = (1.0 - z) * ncand + z * h
        mask = (t < lengths)[:, None]
        h = jnp.where(mask, h_new, h)
        return h, None

    h_final, _ = jax.lax.scan(step, h0, (jnp.swapaxes(xg, 0, 1), jnp.arange(L_)))
    return h_final


def reference(subtokens_embed, node_ids, W_ih_f, W_hh_f, b_ih_f, b_hh_f, W_ih_b, W_hh_b, b_ih_b, b_hh_b):
    # length computation: position of first pad token (torch.max over bool -> first argmax)
    is_pad = node_ids == PAD_IDX
    contains = jnp.any(is_pad, axis=1)
    first_pad = jnp.argmax(is_pad, axis=1)
    lengths = jnp.where(contains, first_pad, node_ids.shape[1])
    # The torch sort/unsort around pack_padded_sequence is a pure permutation that is
    # undone at the end; computing per-row GRU with per-row lengths is mathematically identical.
    h_f = _gru_dir(subtokens_embed, lengths, W_ih_f, W_hh_f, b_ih_f, b_hh_f, False)
    h_b = _gru_dir(subtokens_embed, lengths, W_ih_b, W_hh_b, b_ih_b, b_hh_b, True)
    # h_n of bidirectional single-layer GRU summed over direction axis
    return h_f + h_b

if __name__ == "__main__":
    import jax
    _d = setup_inputs()
    print(jax.jit(kernel)(*tuple(_d.values())))

</pallas_src>

<mosaic_0001>
module attributes {stable_mosaic.version = 14 : i64} {
  func.func @_bigru_kernel(%arg0: i32, %arg1: memref<2000x1024xf32, #tpu.memory_space<vmem>>, %arg2: memref<1x8x2000xi32, #tpu.memory_space<vmem>>, %arg3: memref<192x128xf32, #tpu.memory_space<vmem>>, %arg4: memref<192x32xf32, #tpu.memory_space<vmem>>, %arg5: memref<192x1xf32, #tpu.memory_space<vmem>>, %arg6: memref<192x1xf32, #tpu.memory_space<vmem>>, %arg7: memref<2000x32xf32, #tpu.memory_space<vmem>>) attributes {dimension_semantics = [#tpu.dimension_semantics<arbitrary>], iteration_bounds = array<i64: 50>, scalar_prefetch = 0 : i64, scratch_operands = 0 : i64, tpu.core_type = #tpu.core_type<tc>, window_params = [{transform_indices = @transform_0, window_bounds = array<i64: 2000, 1024>}, {transform_indices = @transform_1, window_bounds = array<i64: 1, 8, 2000>}, {pipeline_mode = #tpu.pipeline_mode<synchronous>, transform_indices = @transform_2, window_bounds = array<i64: 192, 128>}, {pipeline_mode = #tpu.pipeline_mode<synchronous>, transform_indices = @transform_3, window_bounds = array<i64: 192, 32>}, {pipeline_mode = #tpu.pipeline_mode<synchronous>, transform_indices = @transform_4, window_bounds = array<i64: 192, 1>}, {pipeline_mode = #tpu.pipeline_mode<synchronous>, transform_indices = @transform_5, window_bounds = array<i64: 192, 1>}, {transform_indices = @transform_6, window_bounds = array<i64: 2000, 32>}]} {
    %get3A = arith.constant 0 : index
    %get3A_0 = arith.constant 0 : index
    %get3A_1 = vector.load %arg1[%get3A, %get3A_0] : memref<2000x1024xf32, #tpu.memory_space<vmem>>, vector<2000x1024xf32>
    %get3A_2 = arith.constant 0 : index
    %get3A_3 = arith.constant 0 : index
    %get3A_4 = vector.load %arg3[%get3A_2, %get3A_3] : memref<192x128xf32, #tpu.memory_space<vmem>>, vector<192x128xf32>
    %get3A_5 = arith.constant 0 : index
    %get3A_6 = arith.constant 0 : index
    %get3A_7 = vector.load %arg4[%get3A_5, %get3A_6] : memref<192x32xf32, #tpu.memory_space<vmem>>, vector<192x32xf32>
    %get3A_8 = arith.constant 0 : index
    %get3A_9 = arith.constant 0 : index
    %get3A_10 = vector.load %arg5[%get3A_8, %get3A_9] : memref<192x1xf32, #tpu.memory_space<vmem>>, vector<192x1xf32>
    %get3A_11 = arith.constant 0 : index
    %get3A_12 = arith.constant 0 : index
    %get3A_13 = vector.load %arg6[%get3A_11, %get3A_12] : memref<192x1xf32, #tpu.memory_space<vmem>>, vector<192x1xf32>
    %slice3A = vector.extract_strided_slice %get3A_1 {offsets = [0, 0], sizes = [2000, 128], strides = [1, 1]} : vector<2000x1024xf32> to vector<2000x128xf32>
    %dot_general3A = arith.constant dense<0.000000e+00> : vector<192x2000xf32>
    %dot_general3A_14 = tpu.matmul %get3A_4, %slice3A, %dot_general3A {dimension_numbers = #tpu.dot_dimension_numbers<[1], [1], [0], [0], [0, 0, 1, 0], [], []>, transpose_lhs_hint = false} : vector<192x128xf32>, vector<2000x128xf32>, vector<192x2000xf32> -> vector<192x2000xf32>
    %add3A = vector.broadcast %get3A_10 : vector<192x1xf32> to vector<192x2000xf32>
    %add3A_15 = arith.addf %dot_general3A_14, %add3A : vector<192x2000xf32>
    %slice3A_16 = vector.extract_strided_slice %get3A_1 {offsets = [0, 128], sizes = [2000, 128], strides = [1, 1]} : vector<2000x1024xf32> to vector<2000x128xf32>
    %dot_general3A_17 = arith.constant dense<0.000000e+00> : vector<192x2000xf32>
    %dot_general3A_18 = tpu.matmul %get3A_4, %slice3A_16, %dot_general3A_17 {dimension_numbers = #tpu.dot_dimension_numbers<[1], [1], [0], [0], [0, 0, 1, 0], [], []>, transpose_lhs_hint = false} : vector<192x128xf32>, vector<2000x128xf32>, vector<192x2000xf32> -> vector<192x2000xf32>
    %add3A_19 = vector.broadcast %get3A_10 : vector<192x1xf32> to vector<192x2000xf32>
    %add3A_20 = arith.addf %dot_general3A_18, %add3A_19 : vector<192x2000xf32>
    %slice3A_21 = vector.extract_strided_slice %get3A_1 {offsets = [0, 256], sizes = [2000, 128], strides = [1, 1]} : vector<2000x1024xf32> to vector<2000x128xf32>
    %dot_general3A_22 = arith.constant dense<0.000000e+00> : vector<192x2000xf32>
    %dot_general3A_23 = tpu.matmul %get3A_4, %slice3A_21, %dot_general3A_22 {dimension_numbers = #tpu.dot_dimension_numbers<[1], [1], [0], [0], [0, 0, 1, 0], [], []>, transpose_lhs_hint = false} : vector<192x128xf32>, vector<2000x128xf32>, vector<192x2000xf32> -> vector<192x2000xf32>
    %add3A_24 = vector.broadcast %get3A_10 : vector<192x1xf32> to vector<192x2000xf32>
    %add3A_25 = arith.addf %dot_general3A_23, %add3A_24 : vector<192x2000xf32>
    %slice3A_26 = vector.extract_strided_slice %get3A_1 {offsets = [0, 384], sizes = [2000, 128], strides = [1, 1]} : vector<2000x1024xf32> to vector<2000x128xf32>
    %dot_general3A_27 = arith.constant dense<0.000000e+00> : vector<192x2000xf32>
    %dot_general3A_28 = tpu.matmul %get3A_4, %slice3A_26, %dot_general3A_27 {dimension_numbers = #tpu.dot_dimension_numbers<[1], [1], [0], [0], [0, 0, 1, 0], [], []>, transpose_lhs_hint = false} : vector<192x128xf32>, vector<2000x128xf32>, vector<192x2000xf32> -> vector<192x2000xf32>
    %add3A_29 = vector.broadcast %get3A_10 : vector<192x1xf32> to vector<192x2000xf32>
    %add3A_30 = arith.addf %dot_general3A_28, %add3A_29 : vector<192x2000xf32>
    %slice3A_31 = vector.extract_strided_slice %get3A_1 {offsets = [0, 512], sizes = [2000, 128], strides = [1, 1]} : vector<2000x1024xf32> to vector<2000x128xf32>
    %dot_general3A_32 = arith.constant dense<0.000000e+00> : vector<192x2000xf32>
    %dot_general3A_33 = tpu.matmul %get3A_4, %slice3A_31, %dot_general3A_32 {dimension_numbers = #tpu.dot_dimension_numbers<[1], [1], [0], [0], [0, 0, 1, 0], [], []>, transpose_lhs_hint = false} : vector<192x128xf32>, vector<2000x128xf32>, vector<192x2000xf32> -> vector<192x2000xf32>
    %add3A_34 = vector.broadcast %get3A_10 : vector<192x1xf32> to vector<192x2000xf32>
    %add3A_35 = arith.addf %dot_general3A_33, %add3A_34 : vector<192x2000xf32>
    %slice3A_36 = vector.extract_strided_slice %get3A_1 {offsets = [0, 640], sizes = [2000, 128], strides = [1, 1]} : vector<2000x1024xf32> to vector<2000x128xf32>
    %dot_general3A_37 = arith.constant dense<0.000000e+00> : vector<192x2000xf32>
    %dot_general3A_38 = tpu.matmul %get3A_4, %slice3A_36, %dot_general3A_37 {dimension_numbers = #tpu.dot_dimension_numbers<[1], [1], [0], [0], [0, 0, 1, 0], [], []>, transpose_lhs_hint = false} : vector<192x128xf32>, vector<2000x128xf32>, vector<192x2000xf32> -> vector<192x2000xf32>
    %add3A_39 = vector.broadcast %get3A_10 : vector<192x1xf32> to vector<192x2000xf32>
    %add3A_40 = arith.addf %dot_general3A_38, %add3A_39 : vector<192x2000xf32>
    %slice3A_41 = vector.extract_strided_slice %get3A_1 {offsets = [0, 768], sizes = [2000, 128], strides = [1, 1]} : vector<2000x1024xf32> to vector<2000x128xf32>
    %dot_general3A_42 = arith.constant dense<0.000000e+00> : vector<192x2000xf32>
    %dot_general3A_43 = tpu.matmul %get3A_4, %slice3A_41, %dot_general3A_42 {dimension_numbers = #tpu.dot_dimension_numbers<[1], [1], [0], [0], [0, 0, 1, 0], [], []>, transpose_lhs_hint = false} : vector<192x128xf32>, vector<2000x128xf32>, vector<192x2000xf32> -> vector<192x2000xf32>
    %add3A_44 = vector.broadcast %get3A_10 : vector<192x1xf32> to vector<192x2000xf32>
    %add3A_45 = arith.addf %dot_general3A_43, %add3A_44 : vector<192x2000xf32>
    %slice3A_46 = vector.extract_strided_slice %get3A_1 {offsets = [0, 896], sizes = [2000, 128], strides = [1, 1]} : vector<2000x1024xf32> to vector<2000x128xf32>
    %dot_general3A_47 = arith.constant dense<0.000000e+00> : vector<192x2000xf32>
    %dot_general3A_48 = tpu.matmul %get3A_4, %slice3A_46, %dot_general3A_47 {dimension_numbers = #tpu.dot_dimension_numbers<[1], [1], [0], [0], [0, 0, 1, 0], [], []>, transpose_lhs_hint = false} : vector<192x128xf32>, vector<2000x128xf32>, vector<192x2000xf32> -> vector<192x2000xf32>
    %add3A_49 = vector.broadcast %get3A_10 : vector<192x1xf32> to vector<192x2000xf32>
    %add3A_50 = arith.addf %dot_general3A_48, %add3A_49 : vector<192x2000xf32>
    %get3A_51 = arith.constant 0 : index
    %get3A_52 = arith.constant 0 : index
    %get3A_53 = arith.constant 0 : index
    %get3A_54 = vector.load %arg2[%get3A_51, %get3A_52, %get3A_53] : memref<1x8x2000xi32, #tpu.memory_space<vmem>>, vector<1x8x2000xi32>
    %get3A_55 = vector.shape_cast %get3A_54 : vector<1x8x2000xi32> to vector<8x2000xi32>
    %ne3A = arith.constant 1000 : i32
    %ne3A_56 = vector.broadcast %ne3A : i32 to vector<8x2000xi32>
    %ne3A_57 = arith.cmpi ne, %get3A_55, %ne3A_56 : vector<8x2000xi32>
    %slice3A_58 = vector.extract_strided_slice %ne3A_57 {offsets = [0, 0], sizes = [1, 2000], strides = [1, 1]} : vector<8x2000xi1> to vector<1x2000xi1>
    %slice3A_59 = vector.extract_strided_slice %ne3A_57 {offsets = [1, 0], sizes = [1, 2000], strides = [1, 1]} : vector<8x2000xi1> to vector<1x2000xi1>
    %and3A = arith.andi %slice3A_58, %slice3A_59 : vector<1x2000xi1>
    %slice3A_60 = vector.extract_strided_slice %ne3A_57 {offsets = [2, 0], sizes = [1, 2000], strides = [1, 1]} : vector<8x2000xi1> to vector<1x2000xi1>
    %and3A_61 = arith.andi %and3A, %slice3A_60 : vector<1x2000xi1>
    %slice3A_62 = vector.extract_strided_slice %ne3A_57 {offsets = [3, 0], sizes = [1, 2000], strides = [1, 1]} : vector<8x2000xi1> to vector<1x2000xi1>
    %and3A_63 = arith.andi %and3A_61, %slice3A_62 : vector<1x2000xi1>
    %slice3A_64 = vector.extract_strided_slice %ne3A_57 {offsets = [4, 0], sizes = [1, 2000], strides = [1, 1]} : vector<8x2000xi1> to vector<1x2000xi1>
    %and3A_65 = arith.andi %and3A_63, %slice3A_64 : vector<1x2000xi1>
    %slice3A_66 = vector.extract_strided_slice %ne3A_57 {offsets = [5, 0], sizes = [1, 2000], strides = [1, 1]} : vector<8x2000xi1> to vector<1x2000xi1>
    %and3A_67 = arith.andi %and3A_65, %slice3A_66 : vector<1x2000xi1>
    %slice3A_68 = vector.extract_strided_slice %ne3A_57 {offsets = [6, 0], sizes = [1, 2000], strides = [1, 1]} : vector<8x2000xi1> to vector<1x2000xi1>
    %and3A_69 = arith.andi %and3A_67, %slice3A_68 : vector<1x2000xi1>
    %slice3A_70 = vector.extract_strided_slice %ne3A_57 {offsets = [7, 0], sizes = [1, 2000], strides = [1, 1]} : vector<8x2000xi1> to vector<1x2000xi1>
    %and3A_71 = arith.andi %and3A_69, %slice3A_70 : vector<1x2000xi1>
    %broadcast_in_dim3A = arith.constant 0.000000e+00 : f32
    %broadcast_in_dim3A_72 = vector.broadcast %broadcast_in_dim3A : f32 to vector<32x2000xf32>
    %broadcast_in_dim3A_73 = arith.constant 0.000000e+00 : f32
    %broadcast_in_dim3A_74 = vector.broadcast %broadcast_in_dim3A_73 : f32 to vector<32x2000xf32>
    %slice3A_75 = vector.extract_strided_slice %add3A_15 {offsets = [0, 0], sizes = [96, 2000], strides = [1, 1]} : vector<192x2000xf32> to vector<96x2000xf32>
    %slice3A_76 = vector.extract_strided_slice %get3A_7 {offsets = [0, 0], sizes = [96, 32], strides = [1, 1]} : vector<192x32xf32> to vector<96x32xf32>
    %slice3A_77 = vector.extract_strided_slice %get3A_13 {offsets = [0, 0], sizes = [96, 1], strides = [1, 1]} : vector<192x1xf32> to vector<96x1xf32>
    %dot_general3A_78 = arith.constant dense<0.000000e+00> : vector<96x2000xf32>
    %dot_general3A_79 = tpu.matmul %slice3A_76, %broadcast_in_dim3A_72, %dot_general3A_78 {dimension_numbers = #tpu.dot_dimension_numbers<[1], [0], [0], [1], [0, 0, 1, 1], [], []>, transpose_lhs_hint = false} : vector<96x32xf32>, vector<32x2000xf32>, vector<96x2000xf32> -> vector<96x2000xf32>
    %add3A_80 = vector.broadcast %slice3A_77 : vector<96x1xf32> to vector<96x2000xf32>
    %add3A_81 = arith.addf %dot_general3A_79, %add3A_80 : vector<96x2000xf32>
    %slice3A_82 = vector.extract_strided_slice %slice3A_75 {offsets = [0, 0], sizes = [64, 2000], strides = [1, 1]} : vector<96x2000xf32> to vector<64x2000xf32>
    %slice3A_83 = vector.extract_strided_slice %add3A_81 {offsets = [0, 0], sizes = [64, 2000], strides = [1, 1]} : vector<96x2000xf32> to vector<64x2000xf32>
    %add3A_84 = arith.addf %slice3A_82, %slice3A_83 : vector<64x2000xf32>
    %mul3A = arith.constant 5.000000e-01 : f32
    %mul3A_85 = vector.broadcast %mul3A : f32 to vector<64x2000xf32>
    %mul3A_86 = arith.mulf %mul3A_85, %add3A_84 : vector<64x2000xf32>
    %tanh3A = math.tanh %mul3A_86 : vector<64x2000xf32>
    %mul3A_87 = arith.constant 5.000000e-01 : f32
    %mul3A_88 = vector.broadcast %mul3A_87 : f32 to vector<64x2000xf32>
    %mul3A_89 = arith.mulf %mul3A_88, %tanh3A : vector<64x2000xf32>
    %add3A_90 = arith.constant 5.000000e-01 : f32
    %add3A_91 = vector.broadcast %add3A_90 : f32 to vector<64x2000xf32>
    %add3A_92 = arith.addf %mul3A_89, %add3A_91 : vector<64x2000xf32>
    %slice3A_93 = vector.extract_strided_slice %add3A_92 {offsets = [0, 0], sizes = [32, 2000], strides = [1, 1]} : vector<64x2000xf32> to vector<32x2000xf32>
    %slice3A_94 = vector.extract_strided_slice %add3A_92 {offsets = [32, 0], sizes = [32, 2000], strides = [1, 1]} : vector<64x2000xf32> to vector<32x2000xf32>
    %slice3A_95 = vector.extract_strided_slice %slice3A_75 {offsets = [64, 0], sizes = [32, 2000], strides = [1, 1]} : vector<96x2000xf32> to vector<32x2000xf32>
    %slice3A_96 = vector.extract_strided_slice %add3A_81 {offsets = [64, 0], sizes = [32, 2000], strides = [1, 1]} : vector<96x2000xf32> to vector<32x2000xf32>
    %mul3A_97 = arith.mulf %slice3A_93, %slice3A_96 : vector<32x2000xf32>
    %add3A_98 = arith.addf %slice3A_95, %mul3A_97 : vector<32x2000xf32>
    %tanh3A_99 = math.tanh %add3A_98 : vector<32x2000xf32>
    %sub3A = arith.constant 1.000000e+00 : f32
    %sub3A_100 = vector.broadcast %sub3A : f32 to vector<32x2000xf32>
    %sub3A_101 = arith.subf %sub3A_100, %slice3A_94 : vector<32x2000xf32>
    %mul3A_102 = arith.mulf %sub3A_101, %tanh3A_99 : vector<32x2000xf32>
    %mul3A_103 = arith.mulf %slice3A_94, %broadcast_in_dim3A_72 : vector<32x2000xf32>
    %add3A_104 = arith.addf %mul3A_102, %mul3A_103 : vector<32x2000xf32>
    %broadcast_in_dim3A_105 = vector.shape_cast %slice3A_58 : vector<1x2000xi1> to vector<1x2000xi1>
    %broadcast_in_dim3A_106 = vector.broadcast %broadcast_in_dim3A_105 : vector<1x2000xi1> to vector<32x2000xi1>
    %select_n3A = arith.select %broadcast_in_dim3A_106, %add3A_104, %broadcast_in_dim3A_72 : vector<32x2000xi1>, vector<32x2000xf32>
    %slice3A_107 = vector.extract_strided_slice %add3A_50 {offsets = [96, 0], sizes = [96, 2000], strides = [1, 1]} : vector<192x2000xf32> to vector<96x2000xf32>
    %slice3A_108 = vector.extract_strided_slice %get3A_7 {offsets = [96, 0], sizes = [96, 32], strides = [1, 1]} : vector<192x32xf32> to vector<96x32xf32>
    %slice3A_109 = vector.extract_strided_slice %get3A_13 {offsets = [96, 0], sizes = [96, 1], strides = [1, 1]} : vector<192x1xf32> to vector<96x1xf32>
    %dot_general3A_110 = arith.constant dense<0.000000e+00> : vector<96x2000xf32>
    %dot_general3A_111 = tpu.matmul %slice3A_108, %broadcast_in_dim3A_74, %dot_general3A_110 {dimension_numbers = #tpu.dot_dimension_numbers<[1], [0], [0], [1], [0, 0, 1, 1], [], []>, transpose_lhs_hint = false} : vector<96x32xf32>, vector<32x2000xf32>, vector<96x2000xf32> -> vector<96x2000xf32>
    %add3A_112 = vector.broadcast %slice3A_109 : vector<96x1xf32> to vector<96x2000xf32>
    %add3A_113 = arith.addf %dot_general3A_111, %add3A_112 : vector<96x2000xf32>
    %slice3A_114 = vector.extract_strided_slice %slice3A_107 {offsets = [0, 0], sizes = [64, 2000], strides = [1, 1]} : vector<96x2000xf32> to vector<64x2000xf32>
    %slice3A_115 = vector.extract_strided_slice %add3A_113 {offsets = [0, 0], sizes = [64, 2000], strides = [1, 1]} : vector<96x2000xf32> to vector<64x2000xf32>
    %add3A_116 = arith.addf %slice3A_114, %slice3A_115 : vector<64x2000xf32>
    %mul3A_117 = arith.constant 5.000000e-01 : f32
    %mul3A_118 = vector.broadcast %mul3A_117 : f32 to vector<64x2000xf32>
    %mul3A_119 = arith.mulf %mul3A_118, %add3A_116 : vector<64x2000xf32>
    %tanh3A_120 = math.tanh %mul3A_119 : vector<64x2000xf32>
    %mul3A_121 = arith.constant 5.000000e-01 : f32
    %mul3A_122 = vector.broadcast %mul3A_121 : f32 to vector<64x2000xf32>
    %mul3A_123 = arith.mulf %mul3A_122, %tanh3A_120 : vector<64x2000xf32>
    %add3A_124 = arith.constant 5.000000e-01 : f32
    %add3A_125 = vector.broadcast %add3A_124 : f32 to vector<64x2000xf32>
    %add3A_126 = arith.addf %mul3A_123, %add3A_125 : vector<64x2000xf32>
    %slice3A_127 = vector.extract_strided_slice %add3A_126 {offsets = [0, 0], sizes = [32, 2000], strides = [1, 1]} : vector<64x2000xf32> to vector<32x2000xf32>
    %slice3A_128 = vector.extract_strided_slice %add3A_126 {offsets = [32, 0], sizes = [32, 2000], strides = [1, 1]} : vector<64x2000xf32> to vector<32x2000xf32>
    %slice3A_129 = vector.extract_strided_slice %slice3A_107 {offsets = [64, 0], sizes = [32, 2000], strides = [1, 1]} : vector<96x2000xf32> to vector<32x2000xf32>
    %slice3A_130 = vector.extract_strided_slice %add3A_113 {offsets = [64, 0], sizes = [32, 2000], strides = [1, 1]} : vector<96x2000xf32> to vector<32x2000xf32>
    %mul3A_131 = arith.mulf %slice3A_127, %slice3A_130 : vector<32x2000xf32>
    %add3A_132 = arith.addf %slice3A_129, %mul3A_131 : vector<32x2000xf32>
    %tanh3A_133 = math.tanh %add3A_132 : vector<32x2000xf32>
    %sub3A_134 = arith.constant 1.000000e+00 : f32
    %sub3A_135 = vector.broadcast %sub3A_134 : f32 to vector<32x2000xf32>
    %sub3A_136 = arith.subf %sub3A_135, %slice3A_128 : vector<32x2000xf32>
    %mul3A_137 = arith.mulf %sub3A_136, %tanh3A_133 : vector<32x2000xf32>
    %mul3A_138 = arith.mulf %slice3A_128, %broadcast_in_dim3A_74 : vector<32x2000xf32>
    %add3A_139 = arith.addf %mul3A_137, %mul3A_138 : vector<32x2000xf32>
    %broadcast_in_dim3A_140 = vector.shape_cast %and3A_71 : vector<1x2000xi1> to vector<1x2000xi1>
    %broadcast_in_dim3A_141 = vector.broadcast %broadcast_in_dim3A_140 : vector<1x2000xi1> to vector<32x2000xi1>
    %select_n3A_142 = arith.select %broadcast_in_dim3A_141, %add3A_139, %broadcast_in_dim3A_74 : vector<32x2000xi1>, vector<32x2000xf32>
    %slice3A_143 = vector.extract_strided_slice %add3A_20 {offsets = [0, 0], sizes = [96, 2000], strides = [1, 1]} : vector<192x2000xf32> to vector<96x2000xf32>
    %slice3A_144 = vector.extract_strided_slice %get3A_7 {offsets = [0, 0], sizes = [96, 32], strides = [1, 1]} : vector<192x32xf32> to vector<96x32xf32>
    %slice3A_145 = vector.extract_strided_slice %get3A_13 {offsets = [0, 0], sizes = [96, 1], strides = [1, 1]} : vector<192x1xf32> to vector<96x1xf32>
    %dot_general3A_146 = arith.constant dense<0.000000e+00> : vector<96x2000xf32>
    %dot_general3A_147 = tpu.matmul %slice3A_144, %select_n3A, %dot_general3A_146 {dimension_numbers = #tpu.dot_dimension_numbers<[1], [0], [0], [1], [0, 0, 1, 1], [], []>, transpose_lhs_hint = false} : vector<96x32xf32>, vector<32x2000xf32>, vector<96x2000xf32> -> vector<96x2000xf32>
    %add3A_148 = vector.broadcast %slice3A_145 : vector<96x1xf32> to vector<96x2000xf32>
    %add3A_149 = arith.addf %dot_general3A_147, %add3A_148 : vector<96x2000xf32>
    %slice3A_150 = vector.extract_strided_slice %slice3A_143 {offsets = [0, 0], sizes = [64, 2000], strides = [1, 1]} : vector<96x2000xf32> to vector<64x2000xf32>
    %slice3A_151 = vector.extract_strided_slice %add3A_149 {offsets = [0, 0], sizes = [64, 2000], strides = [1, 1]} : vector<96x2000xf32> to vector<64x2000xf32>
    %add3A_152 = arith.addf %slice3A_150, %slice3A_151 : vector<64x2000xf32>
    %mul3A_153 = arith.constant 5.000000e-01 : f32
    %mul3A_154 = vector.broadcast %mul3A_153 : f32 to vector<64x2000xf32>
    %mul3A_155 = arith.mulf %mul3A_154, %add3A_152 : vector<64x2000xf32>
    %tanh3A_156 = math.tanh %mul3A_155 : vector<64x2000xf32>
    %mul3A_157 = arith.constant 5.000000e-01 : f32
    %mul3A_158 = vector.broadcast %mul3A_157 : f32 to vector<64x2000xf32>
    %mul3A_159 = arith.mulf %mul3A_158, %tanh3A_156 : vector<64x2000xf32>
    %add3A_160 = arith.constant 5.000000e-01 : f32
    %add3A_161 = vector.broadcast %add3A_160 : f32 to vector<64x2000xf32>
    %add3A_162 = arith.addf %mul3A_159, %add3A_161 : vector<64x2000xf32>
    %slice3A_163 = vector.extract_strided_slice %add3A_162 {offsets = [0, 0], sizes = [32, 2000], strides = [1, 1]} : vector<64x2000xf32> to vector<32x2000xf32>
    %slice3A_164 = vector.extract_strided_slice %add3A_162 {offsets = [32, 0], sizes = [32, 2000], strides = [1, 1]} : vector<64x2000xf32> to vector<32x2000xf32>
    %slice3A_165 = vector.extract_strided_slice %slice3A_143 {offsets = [64, 0], sizes = [32, 2000], strides = [1, 1]} : vector<96x2000xf32> to vector<32x2000xf32>
    %slice3A_166 = vector.extract_strided_slice %add3A_149 {offsets = [64, 0], sizes = [32, 2000], strides = [1, 1]} : vector<96x2000xf32> to vector<32x2000xf32>
    %mul3A_167 = arith.mulf %slice3A_163, %slice3A_166 : vector<32x2000xf32>
    %add3A_168 = arith.addf %slice3A_165, %mul3A_167 : vector<32x2000xf32>
    %tanh3A_169 = math.tanh %add3A_168 : vector<32x2000xf32>
    %sub3A_170 = arith.constant 1.000000e+00 : f32
    %sub3A_171 = vector.broadcast %sub3A_170 : f32 to vector<32x2000xf32>
    %sub3A_172 = arith.subf %sub3A_171, %slice3A_164 : vector<32x2000xf32>
    %mul3A_173 = arith.mulf %sub3A_172, %tanh3A_169 : vector<32x2000xf32>
    %mul3A_174 = arith.mulf %slice3A_164, %select_n3A : vector<32x2000xf32>
    %add3A_175 = arith.addf %mul3A_173, %mul3A_174 : vector<32x2000xf32>
    %broadcast_in_dim3A_176 = vector.shape_cast %and3A : vector<1x2000xi1> to vector<1x2000xi1>
    %broadcast_in_dim3A_177 = vector.broadcast %broadcast_in_dim3A_176 : vector<1x2000xi1> to vector<32x2000xi1>
    %select_n3A_178 = arith.select %broadcast_in_dim3A_177, %add3A_175, %select_n3A : vector<32x2000xi1>, vector<32x2000xf32>
    %slice3A_179 = vector.extract_strided_slice %add3A_45 {offsets = [96, 0], sizes = [96, 2000], strides = [1, 1]} : vector<192x2000xf32> to vector<96x2000xf32>
    %slice3A_180 = vector.extract_strided_slice %get3A_7 {offsets = [96, 0], sizes = [96, 32], strides = [1, 1]} : vector<192x32xf32> to vector<96x32xf32>
    %slice3A_181 = vector.extract_strided_slice %get3A_13 {offsets = [96, 0], sizes = [96, 1], strides = [1, 1]} : vector<192x1xf32> to vector<96x1xf32>
    %dot_general3A_182 = arith.constant dense<0.000000e+00> : vector<96x2000xf32>
    %dot_general3A_183 = tpu.matmul %slice3A_180, %select_n3A_142, %dot_general3A_182 {dimension_numbers = #tpu.dot_dimension_numbers<[1], [0], [0], [1], [0, 0, 1, 1], [], []>, transpose_lhs_hint = false} : vector<96x32xf32>, vector<32x2000xf32>, vector<96x2000xf32> -> vector<96x2000xf32>
    %add3A_184 = vector.broadcast %slice3A_181 : vector<96x1xf32> to vector<96x2000xf32>
    %add3A_185 = arith.addf %dot_general3A_183, %add3A_184 : vector<96x2000xf32>
    %slice3A_186 = vector.extract_strided_slice %slice3A_179 {offsets = [0, 0], sizes = [64, 2000], strides = [1, 1]} : vector<96x2000xf32> to vector<64x2000xf32>
    %slice3A_187 = vector.extract_strided_slice %add3A_185 {offsets = [0, 0], sizes = [64, 2000], strides = [1, 1]} : vector<96x2000xf32> to vector<64x2000xf32>
    %add3A_188 = arith.addf %slice3A_186, %slice3A_187 : vector<64x2000xf32>
    %mul3A_189 = arith.constant 5.000000e-01 : f32
    %mul3A_190 = vector.broadcast %mul3A_189 : f32 to vector<64x2000xf32>
    %mul3A_191 = arith.mulf %mul3A_190, %add3A_188 : vector<64x2000xf32>
    %tanh3A_192 = math.tanh %mul3A_191 : vector<64x2000xf32>
    %mul3A_193 = arith.constant 5.000000e-01 : f32
    %mul3A_194 = vector.broadcast %mul3A_193 : f32 to vector<64x2000xf32>
    %mul3A_195 = arith.mulf %mul3A_194, %tanh3A_192 : vector<64x2000xf32>
    %add3A_196 = arith.constant 5.000000e-01 : f32
    %add3A_197 = vector.broadcast %add3A_196 : f32 to vector<64x2000xf32>
    %add3A_198 = arith.addf %mul3A_195, %add3A_197 : vector<64x2000xf32>
    %slice3A_199 = vector.extract_strided_slice %add3A_198 {offsets = [0, 0], sizes = [32, 2000], strides = [1, 1]} : vector<64x2000xf32> to vector<32x2000xf32>
    %slice3A_200 = vector.extract_strided_slice %add3A_198 {offsets = [32, 0], sizes = [32, 2000], strides = [1, 1]} : vector<64x2000xf32> to vector<32x2000xf32>
    %slice3A_201 = vector.extract_strided_slice %slice3A_179 {offsets = [64, 0], sizes = [32, 2000], strides = [1, 1]} : vector<96x2000xf32> to vector<32x2000xf32>
    %slice3A_202 = vector.extract_strided_slice %add3A_185 {offsets = [64, 0], sizes = [32, 2000], strides = [1, 1]} : vector<96x2000xf32> to vector<32x2000xf32>
    %mul3A_203 = arith.mulf %slice3A_199, %slice3A_202 : vector<32x2000xf32>
    %add3A_204 = arith.addf %slice3A_201, %mul3A_203 : vector<32x2000xf32>
    %tanh3A_205 = math.tanh %add3A_204 : vector<32x2000xf32>
    %sub3A_206 = arith.constant 1.000000e+00 : f32
    %sub3A_207 = vector.broadcast %sub3A_206 : f32 to vector<32x2000xf32>
    %sub3A_208 = arith.subf %sub3A_207, %slice3A_200 : vector<32x2000xf32>
    %mul3A_209 = arith.mulf %sub3A_208, %tanh3A_205 : vector<32x2000xf32>
    %mul3A_210 = arith.mulf %slice3A_200, %select_n3A_142 : vector<32x2000xf32>
    %add3A_211 = arith.addf %mul3A_209, %mul3A_210 : vector<32x2000xf32>
    %broadcast_in_dim3A_212 = vector.shape_cast %and3A_69 : vector<1x2000xi1> to vector<1x2000xi1>
    %broadcast_in_dim3A_213 = vector.broadcast %broadcast_in_dim3A_212 : vector<1x2000xi1> to vector<32x2000xi1>
    %select_n3A_214 = arith.select %broadcast_in_dim3A_213, %add3A_211, %select_n3A_142 : vector<32x2000xi1>, vector<32x2000xf32>
    %slice3A_215 = vector.extract_strided_slice %add3A_25 {offsets = [0, 0], sizes = [96, 2000], strides = [1, 1]} : vector<192x2000xf32> to vector<96x2000xf32>
    %slice3A_216 = vector.extract_strided_slice %get3A_7 {offsets = [0, 0], sizes = [96, 32], strides = [1, 1]} : vector<192x32xf32> to vector<96x32xf32>
    %slice3A_217 = vector.extract_strided_slice %get3A_13 {offsets = [0, 0], sizes = [96, 1], strides = [1, 1]} : vector<192x1xf32> to vector<96x1xf32>
    %dot_general3A_218 = arith.constant dense<0.000000e+00> : vector<96x2000xf32>
    %dot_general3A_219 = tpu.matmul %slice3A_216, %select_n3A_178, %dot_general3A_218 {dimension_numbers = #tpu.dot_dimension_numbers<[1], [0], [0], [1], [0, 0, 1, 1], [], []>, transpose_lhs_hint = false} : vector<96x32xf32>, vector<32x2000xf32>, vector<96x2000xf32> -> vector<96x2000xf32>
    %add3A_220 = vector.broadcast %slice3A_217 : vector<96x1xf32> to vector<96x2000xf32>
    %add3A_221 = arith.addf %dot_general3A_219, %add3A_220 : vector<96x2000xf32>
    %slice3A_222 = vector.extract_strided_slice %slice3A_215 {offsets = [0, 0], sizes = [64, 2000], strides = [1, 1]} : vector<96x2000xf32> to vector<64x2000xf32>
    %slice3A_223 = vector.extract_strided_slice %add3A_221 {offsets = [0, 0], sizes = [64, 2000], strides = [1, 1]} : vector<96x2000xf32> to vector<64x2000xf32>
    %add3A_224 = arith.addf %slice3A_222, %slice3A_223 : vector<64x2000xf32>
    %mul3A_225 = arith.constant 5.000000e-01 : f32
    %mul3A_226 = vector.broadcast %mul3A_225 : f32 to vector<64x2000xf32>
    %mul3A_227 = arith.mulf %mul3A_226, %add3A_224 : vector<64x2000xf32>
    %tanh3A_228 = math.tanh %mul3A_227 : vector<64x2000xf32>
    %mul3A_229 = arith.constant 5.000000e-01 : f32
    %mul3A_230 = vector.broadcast %mul3A_229 : f32 to vector<64x2000xf32>
    %mul3A_231 = arith.mulf %mul3A_230, %tanh3A_228 : vector<64x2000xf32>
    %add3A_232 = arith.constant 5.000000e-01 : f32
    %add3A_233 = vector.broadcast %add3A_232 : f32 to vector<64x2000xf32>
    %add3A_234 = arith.addf %mul3A_231, %add3A_233 : vector<64x2000xf32>
    %slice3A_235 = vector.extract_strided_slice %add3A_234 {offsets = [0, 0], sizes = [32, 2000], strides = [1, 1]} : vector<64x2000xf32> to vector<32x2000xf32>
    %slice3A_236 = vector.extract_strided_slice %add3A_234 {offsets = [32, 0], sizes = [32, 2000], strides = [1, 1]} : vector<64x2000xf32> to vector<32x2000xf32>
    %slice3A_237 = vector.extract_strided_slice %slice3A_215 {offsets = [64, 0], sizes = [32, 2000], strides = [1, 1]} : vector<96x2000xf32> to vector<32x2000xf32>
    %slice3A_238 = vector.extract_strided_slice %add3A_221 {offsets = [64, 0], sizes = [32, 2000], strides = [1, 1]} : vector<96x2000xf32> to vector<32x2000xf32>
    %mul3A_239 = arith.mulf %slice3A_235, %slice3A_238 : vector<32x2000xf32>
    %add3A_240 = arith.addf %slice3A_237, %mul3A_239 : vector<32x2000xf32>
    %tanh3A_241 = math.tanh %add3A_240 : vector<32x2000xf32>
    %sub3A_242 = arith.constant 1.000000e+00 : f32
    %sub3A_243 = vector.broadcast %sub3A_242 : f32 to vector<32x2000xf32>
    %sub3A_244 = arith.subf %sub3A_243, %slice3A_236 : vector<32x2000xf32>
    %mul3A_245 = arith.mulf %sub3A_244, %tanh3A_241 : vector<32x2000xf32>
    %mul3A_246 = arith.mulf %slice3A_236, %select_n3A_178 : vector<32x2000xf32>
    %add3A_247 = arith.addf %mul3A_245, %mul3A_246 : vector<32x2000xf32>
    %broadcast_in_dim3A_248 = vector.shape_cast %and3A_61 : vector<1x2000xi1> to vector<1x2000xi1>
    %broadcast_in_dim3A_249 = vector.broadcast %broadcast_in_dim3A_248 : vector<1x2000xi1> to vector<32x2000xi1>
    %select_n3A_250 = arith.select %broadcast_in_dim3A_249, %add3A_247, %select_n3A_178 : vector<32x2000xi1>, vector<32x2000xf32>
    %slice3A_251 = vector.extract_strided_slice %add3A_40 {offsets = [96, 0], sizes = [96, 2000], strides = [1, 1]} : vector<192x2000xf32> to vector<96x2000xf32>
    %slice3A_252 = vector.extract_strided_slice %get3A_7 {offsets = [96, 0], sizes = [96, 32], strides = [1, 1]} : vector<192x32xf32> to vector<96x32xf32>
    %slice3A_253 = vector.extract_strided_slice %get3A_13 {offsets = [96, 0], sizes = [96, 1], strides = [1, 1]} : vector<192x1xf32> to vector<96x1xf32>
    %dot_general3A_254 = arith.constant dense<0.000000e+00> : vector<96x2000xf32>
    %dot_general3A_255 = tpu.matmul %slice3A_252, %select_n3A_214, %dot_general3A_254 {dimension_numbers = #tpu.dot_dimension_numbers<[1], [0], [0], [1], [0, 0, 1, 1], [], []>, transpose_lhs_hint = false} : vector<96x32xf32>, vector<32x2000xf32>, vector<96x2000xf32> -> vector<96x2000xf32>
    %add3A_256 = vector.broadcast %slice3A_253 : vector<96x1xf32> to vector<96x2000xf32>
    %add3A_257 = arith.addf %dot_general3A_255, %add3A_256 : vector<96x2000xf32>
    %slice3A_258 = vector.extract_strided_slice %slice3A_251 {offsets = [0, 0], sizes = [64, 2000], strides = [1, 1]} : vector<96x2000xf32> to vector<64x2000xf32>
    %slice3A_259 = vector.extract_strided_slice %add3A_257 {offsets = [0, 0], sizes = [64, 2000], strides = [1, 1]} : vector<96x2000xf32> to vector<64x2000xf32>
    %add3A_260 = arith.addf %slice3A_258, %slice3A_259 : vector<64x2000xf32>
    %mul3A_261 = arith.constant 5.000000e-01 : f32
    %mul3A_262 = vector.broadcast %mul3A_261 : f32 to vector<64x2000xf32>
    %mul3A_263 = arith.mulf %mul3A_262, %add3A_260 : vector<64x2000xf32>
    %tanh3A_264 = math.tanh %mul3A_263 : vector<64x2000xf32>
    %mul3A_265 = arith.constant 5.000000e-01 : f32
    %mul3A_266 = vector.broadcast %mul3A_265 : f32 to vector<64x2000xf32>
    %mul3A_267 = arith.mulf %mul3A_266, %tanh3A_264 : vector<64x2000xf32>
    %add3A_268 = arith.constant 5.000000e-01 : f32
    %add3A_269 = vector.broadcast %add3A_268 : f32 to vector<64x2000xf32>
    %add3A_270 = arith.addf %mul3A_267, %add3A_269 : vector<64x2000xf32>
    %slice3A_271 = vector.extract_strided_slice %add3A_270 {offsets = [0, 0], sizes = [32, 2000], strides = [1, 1]} : vector<64x2000xf32> to vector<32x2000xf32>
    %slice3A_272 = vector.extract_strided_slice %add3A_270 {offsets = [32, 0], sizes = [32, 2000], strides = [1, 1]} : vector<64x2000xf32> to vector<32x2000xf32>
    %slice3A_273 = vector.extract_strided_slice %slice3A_251 {offsets = [64, 0], sizes = [32, 2000], strides = [1, 1]} : vector<96x2000xf32> to vector<32x2000xf32>
    %slice3A_274 = vector.extract_strided_slice %add3A_257 {offsets = [64, 0], sizes = [32, 2000], strides = [1, 1]} : vector<96x2000xf32> to vector<32x2000xf32>
    %mul3A_275 = arith.mulf %slice3A_271, %slice3A_274 : vector<32x2000xf32>
    %add3A_276 = arith.addf %slice3A_273, %mul3A_275 : vector<32x2000xf32>
    %tanh3A_277 = math.tanh %add3A_276 : vector<32x2000xf32>
    %sub3A_278 = arith.constant 1.000000e+00 : f32
    %sub3A_279 = vector.broadcast %sub3A_278 : f32 to vector<32x2000xf32>
    %sub3A_280 = arith.subf %sub3A_279, %slice3A_272 : vector<32x2000xf32>
    %mul3A_281 = arith.mulf %sub3A_280, %tanh3A_277 : vector<32x2000xf32>
    %mul3A_282 = arith.mulf %slice3A_272, %select_n3A_214 : vector<32x2000xf32>
    %add3A_283 = arith.addf %mul3A_281, %mul3A_282 : vector<32x2000xf32>
    %broadcast_in_dim3A_284 = vector.shape_cast %and3A_67 : vector<1x2000xi1> to vector<1x2000xi1>
    %broadcast_in_dim3A_285 = vector.broadcast %broadcast_in_dim3A_284 : vector<1x2000xi1> to vector<32x2000xi1>
    %select_n3A_286 = arith.select %broadcast_in_dim3A_285, %add3A_283, %select_n3A_214 : vector<32x2000xi1>, vector<32x2000xf32>
    %slice3A_287 = vector.extract_strided_slice %add3A_30 {offsets = [0, 0], sizes = [96, 2000], strides = [1, 1]} : vector<192x2000xf32> to vector<96x2000xf32>
    %slice3A_288 = vector.extract_strided_slice %get3A_7 {offsets = [0, 0], sizes = [96, 32], strides = [1, 1]} : vector<192x32xf32> to vector<96x32xf32>
    %slice3A_289 = vector.extract_strided_slice %get3A_13 {offsets = [0, 0], sizes = [96, 1], strides = [1, 1]} : vector<192x1xf32> to vector<96x1xf32>
    %dot_general3A_290 = arith.constant dense<0.000000e+00> : vector<96x2000xf32>
    %dot_general3A_291 = tpu.matmul %slice3A_288, %select_n3A_250, %dot_general3A_290 {dimension_numbers = #tpu.dot_dimension_numbers<[1], [0], [0], [1], [0, 0, 1, 1], [], []>, transpose_lhs_hint = false} : vector<96x32xf32>, vector<32x2000xf32>, vector<96x2000xf32> -> vector<96x2000xf32>
    %add3A_292 = vector.broadcast %slice3A_289 : vector<96x1xf32> to vector<96x2000xf32>
    %add3A_293 = arith.addf %dot_general3A_291, %add3A_292 : vector<96x2000xf32>
    %slice3A_294 = vector.extract_strided_slice %slice3A_287 {offsets = [0, 0], sizes = [64, 2000], strides = [1, 1]} : vector<96x2000xf32> to vector<64x2000xf32>
    %slice3A_295 = vector.extract_strided_slice %add3A_293 {offsets = [0, 0], sizes = [64, 2000], strides = [1, 1]} : vector<96x2000xf32> to vector<64x2000xf32>
    %add3A_296 = arith.addf %slice3A_294, %slice3A_295 : vector<64x2000xf32>
    %mul3A_297 = arith.constant 5.000000e-01 : f32
    %mul3A_298 = vector.broadcast %mul3A_297 : f32 to vector<64x2000xf32>
    %mul3A_299 = arith.mulf %mul3A_298, %add3A_296 : vector<64x2000xf32>
    %tanh3A_300 = math.tanh %mul3A_299 : vector<64x2000xf32>
    %mul3A_301 = arith.constant 5.000000e-01 : f32
    %mul3A_302 = vector.broadcast %mul3A_301 : f32 to vector<64x2000xf32>
    %mul3A_303 = arith.mulf %mul3A_302, %tanh3A_300 : vector<64x2000xf32>
    %add3A_304 = arith.constant 5.000000e-01 : f32
    %add3A_305 = vector.broadcast %add3A_304 : f32 to vector<64x2000xf32>
    %add3A_306 = arith.addf %mul3A_303, %add3A_305 : vector<64x2000xf32>
    %slice3A_307 = vector.extract_strided_slice %add3A_306 {offsets = [0, 0], sizes = [32, 2000], strides = [1, 1]} : vector<64x2000xf32> to vector<32x2000xf32>
    %slice3A_308 = vector.extract_strided_slice %add3A_306 {offsets = [32, 0], sizes = [32, 2000], strides = [1, 1]} : vector<64x2000xf32> to vector<32x2000xf32>
    %slice3A_309 = vector.extract_strided_slice %slice3A_287 {offsets = [64, 0], sizes = [32, 2000], strides = [1, 1]} : vector<96x2000xf32> to vector<32x2000xf32>
    %slice3A_310 = vector.extract_strided_slice %add3A_293 {offsets = [64, 0], sizes = [32, 2000], strides = [1, 1]} : vector<96x2000xf32> to vector<32x2000xf32>
    %mul3A_311 = arith.mulf %slice3A_307, %slice3A_310 : vector<32x2000xf32>
    %add3A_312 = arith.addf %slice3A_309, %mul3A_311 : vector<32x2000xf32>
    %tanh3A_313 = math.tanh %add3A_312 : vector<32x2000xf32>
    %sub3A_314 = arith.constant 1.000000e+00 : f32
    %sub3A_315 = vector.broadcast %sub3A_314 : f32 to vector<32x2000xf32>
    %sub3A_316 = arith.subf %sub3A_315, %slice3A_308 : vector<32x2000xf32>
    %mul3A_317 = arith.mulf %sub3A_316, %tanh3A_313 : vector<32x2000xf32>
    %mul3A_318 = arith.mulf %slice3A_308, %select_n3A_250 : vector<32x2000xf32>
    %add3A_319 = arith.addf %mul3A_317, %mul3A_318 : vector<32x2000xf32>
    %broadcast_in_dim3A_320 = vector.shape_cast %and3A_63 : vector<1x2000xi1> to vector<1x2000xi1>
    %broadcast_in_dim3A_321 = vector.broadcast %broadcast_in_dim3A_320 : vector<1x2000xi1> to vector<32x2000xi1>
    %select_n3A_322 = arith.select %broadcast_in_dim3A_321, %add3A_319, %select_n3A_250 : vector<32x2000xi1>, vector<32x2000xf32>
    %slice3A_323 = vector.extract_strided_slice %add3A_35 {offsets = [96, 0], sizes = [96, 2000], strides = [1, 1]} : vector<192x2000xf32> to vector<96x2000xf32>
    %slice3A_324 = vector.extract_strided_slice %get3A_7 {offsets = [96, 0], sizes = [96, 32], strides = [1, 1]} : vector<192x32xf32> to vector<96x32xf32>
    %slice3A_325 = vector.extract_strided_slice %get3A_13 {offsets = [96, 0], sizes = [96, 1], strides = [1, 1]} : vector<192x1xf32> to vector<96x1xf32>
    %dot_general3A_326 = arith.constant dense<0.000000e+00> : vector<96x2000xf32>
    %dot_general3A_327 = tpu.matmul %slice3A_324, %select_n3A_286, %dot_general3A_326 {dimension_numbers = #tpu.dot_dimension_numbers<[1], [0], [0], [1], [0, 0, 1, 1], [], []>, transpose_lhs_hint = false} : vector<96x32xf32>, vector<32x2000xf32>, vector<96x2000xf32> -> vector<96x2000xf32>
    %add3A_328 = vector.broadcast %slice3A_325 : vector<96x1xf32> to vector<96x2000xf32>
    %add3A_329 = arith.addf %dot_general3A_327, %add3A_328 : vector<96x2000xf32>
    %slice3A_330 = vector.extract_strided_slice %slice3A_323 {offsets = [0, 0], sizes = [64, 2000], strides = [1, 1]} : vector<96x2000xf32> to vector<64x2000xf32>
    %slice3A_331 = vector.extract_strided_slice %add3A_329 {offsets = [0, 0], sizes = [64, 2000], strides = [1, 1]} : vector<96x2000xf32> to vector<64x2000xf32>
    %add3A_332 = arith.addf %slice3A_330, %slice3A_331 : vector<64x2000xf32>
    %mul3A_333 = arith.constant 5.000000e-01 : f32
    %mul3A_334 = vector.broadcast %mul3A_333 : f32 to vector<64x2000xf32>
    %mul3A_335 = arith.mulf %mul3A_334, %add3A_332 : vector<64x2000xf32>
    %tanh3A_336 = math.tanh %mul3A_335 : vector<64x2000xf32>
    %mul3A_337 = arith.constant 5.000000e-01 : f32
    %mul3A_338 = vector.broadcast %mul3A_337 : f32 to vector<64x2000xf32>
    %mul3A_339 = arith.mulf %mul3A_338, %tanh3A_336 : vector<64x2000xf32>
    %add3A_340 = arith.constant 5.000000e-01 : f32
    %add3A_341 = vector.broadcast %add3A_340 : f32 to vector<64x2000xf32>
    %add3A_342 = arith.addf %mul3A_339, %add3A_341 : vector<64x2000xf32>
    %slice3A_343 = vector.extract_strided_slice %add3A_342 {offsets = [0, 0], sizes = [32, 2000], strides = [1, 1]} : vector<64x2000xf32> to vector<32x2000xf32>
    %slice3A_344 = vector.extract_strided_slice %add3A_342 {offsets = [32, 0], sizes = [32, 2000], strides = [1, 1]} : vector<64x2000xf32> to vector<32x2000xf32>
    %slice3A_345 = vector.extract_strided_slice %slice3A_323 {offsets = [64, 0], sizes = [32, 2000], strides = [1, 1]} : vector<96x2000xf32> to vector<32x2000xf32>
    %slice3A_346 = vector.extract_strided_slice %add3A_329 {offsets = [64, 0], sizes = [32, 2000], strides = [1, 1]} : vector<96x2000xf32> to vector<32x2000xf32>
    %mul3A_347 = arith.mulf %slice3A_343, %slice3A_346 : vector<32x2000xf32>
    %add3A_348 = arith.addf %slice3A_345, %mul3A_347 : vector<32x2000xf32>
    %tanh3A_349 = math.tanh %add3A_348 : vector<32x2000xf32>
    %sub3A_350 = arith.constant 1.000000e+00 : f32
    %sub3A_351 = vector.broadcast %sub3A_350 : f32 to vector<32x2000xf32>
    %sub3A_352 = arith.subf %sub3A_351, %slice3A_344 : vector<32x2000xf32>
    %mul3A_353 = arith.mulf %sub3A_352, %tanh3A_349 : vector<32x2000xf32>
    %mul3A_354 = arith.mulf %slice3A_344, %select_n3A_286 : vector<32x2000xf32>
    %add3A_355 = arith.addf %mul3A_353, %mul3A_354 : vector<32x2000xf32>
    %broadcast_in_dim3A_356 = vector.shape_cast %and3A_65 : vector<1x2000xi1> to vector<1x2000xi1>
    %broadcast_in_dim3A_357 = vector.broadcast %broadcast_in_dim3A_356 : vector<1x2000xi1> to vector<32x2000xi1>
    %select_n3A_358 = arith.select %broadcast_in_dim3A_357, %add3A_355, %select_n3A_286 : vector<32x2000xi1>, vector<32x2000xf32>
    %slice3A_359 = vector.extract_strided_slice %add3A_35 {offsets = [0, 0], sizes = [96, 2000], strides = [1, 1]} : vector<192x2000xf32> to vector<96x2000xf32>
    %slice3A_360 = vector.extract_strided_slice %get3A_7 {offsets = [0, 0], sizes = [96, 32], strides = [1, 1]} : vector<192x32xf32> to vector<96x32xf32>
    %slice3A_361 = vector.extract_strided_slice %get3A_13 {offsets = [0, 0], sizes = [96, 1], strides = [1, 1]} : vector<192x1xf32> to vector<96x1xf32>
    %dot_general3A_362 = arith.constant dense<0.000000e+00> : vector<96x2000xf32>
    %dot_general3A_363 = tpu.matmul %slice3A_360, %select_n3A_322, %dot_general3A_362 {dimension_numbers = #tpu.dot_dimension_numbers<[1], [0], [0], [1], [0, 0, 1, 1], [], []>, transpose_lhs_hint = false} : vector<96x32xf32>, vector<32x2000xf32>, vector<96x2000xf32> -> vector<96x2000xf32>
    %add3A_364 = vector.broadcast %slice3A_361 : vector<96x1xf32> to vector<96x2000xf32>
    %add3A_365 = arith.addf %dot_general3A_363, %add3A_364 : vector<96x2000xf32>
    %slice3A_366 = vector.extract_strided_slice %slice3A_359 {offsets = [0, 0], sizes = [64, 2000], strides = [1, 1]} : vector<96x2000xf32> to vector<64x2000xf32>
    %slice3A_367 = vector.extract_strided_slice %add3A_365 {offsets = [0, 0], sizes = [64, 2000], strides = [1, 1]} : vector<96x2000xf32> to vector<64x2000xf32>
    %add3A_368 = arith.addf %slice3A_366, %slice3A_367 : vector<64x2000xf32>
    %mul3A_369 = arith.constant 5.000000e-01 : f32
    %mul3A_370 = vector.broadcast %mul3A_369 : f32 to vector<64x2000xf32>
    %mul3A_371 = arith.mulf %mul3A_370, %add3A_368 : vector<64x2000xf32>
    %tanh3A_372 = math.tanh %mul3A_371 : vector<64x2000xf32>
    %mul3A_373 = arith.constant 5.000000e-01 : f32
    %mul3A_374 = vector.broadcast %mul3A_373 : f32 to vector<64x2000xf32>
    %mul3A_375 = arith.mulf %mul3A_374, %tanh3A_372 : vector<64x2000xf32>
    %add3A_376 = arith.constant 5.000000e-01 : f32
    %add3A_377 = vector.broadcast %add3A_376 : f32 to vector<64x2000xf32>
    %add3A_378 = arith.addf %mul3A_375, %add3A_377 : vector<64x2000xf32>
    %slice3A_379 = vector.extract_strided_slice %add3A_378 {offsets = [0, 0], sizes = [32, 2000], strides = [1, 1]} : vector<64x2000xf32> to vector<32x2000xf32>
    %slice3A_380 = vector.extract_strided_slice %add3A_378 {offsets = [32, 0], sizes = [32, 2000], strides = [1, 1]} : vector<64x2000xf32> to vector<32x2000xf32>
    %slice3A_381 = vector.extract_strided_slice %slice3A_359 {offsets = [64, 0], sizes = [32, 2000], strides = [1, 1]} : vector<96x2000xf32> to vector<32x2000xf32>
    %slice3A_382 = vector.extract_strided_slice %add3A_365 {offsets = [64, 0], sizes = [32, 2000], strides = [1, 1]} : vector<96x2000xf32> to vector<32x2000xf32>
    %mul3A_383 = arith.mulf %slice3A_379, %slice3A_382 : vector<32x2000xf32>
    %add3A_384 = arith.addf %slice3A_381, %mul3A_383 : vector<32x2000xf32>
    %tanh3A_385 = math.tanh %add3A_384 : vector<32x2000xf32>
    %sub3A_386 = arith.constant 1.000000e+00 : f32
    %sub3A_387 = vector.broadcast %sub3A_386 : f32 to vector<32x2000xf32>
    %sub3A_388 = arith.subf %sub3A_387, %slice3A_380 : vector<32x2000xf32>
    %mul3A_389 = arith.mulf %sub3A_388, %tanh3A_385 : vector<32x2000xf32>
    %mul3A_390 = arith.mulf %slice3A_380, %select_n3A_322 : vector<32x2000xf32>
    %add3A_391 = arith.addf %mul3A_389, %mul3A_390 : vector<32x2000xf32>
    %broadcast_in_dim3A_392 = vector.shape_cast %and3A_65 : vector<1x2000xi1> to vector<1x2000xi1>
    %broadcast_in_dim3A_393 = vector.broadcast %broadcast_in_dim3A_392 : vector<1x2000xi1> to vector<32x2000xi1>
    %select_n3A_394 = arith.select %broadcast_in_dim3A_393, %add3A_391, %select_n3A_322 : vector<32x2000xi1>, vector<32x2000xf32>
    %slice3A_395 = vector.extract_strided_slice %add3A_30 {offsets = [96, 0], sizes = [96, 2000], strides = [1, 1]} : vector<192x2000xf32> to vector<96x2000xf32>
    %slice3A_396 = vector.extract_strided_slice %get3A_7 {offsets = [96, 0], sizes = [96, 32], strides = [1, 1]} : vector<192x32xf32> to vector<96x32xf32>
    %slice3A_397 = vector.extract_strided_slice %get3A_13 {offsets = [96, 0], sizes = [96, 1], strides = [1, 1]} : vector<192x1xf32> to vector<96x1xf32>
    %dot_general3A_398 = arith.constant dense<0.000000e+00> : vector<96x2000xf32>
    %dot_general3A_399 = tpu.matmul %slice3A_396, %select_n3A_358, %dot_general3A_398 {dimension_numbers = #tpu.dot_dimension_numbers<[1], [0], [0], [1], [0, 0, 1, 1], [], []>, transpose_lhs_hint = false} : vector<96x32xf32>, vector<32x2000xf32>, vector<96x2000xf32> -> vector<96x2000xf32>
    %add3A_400 = vector.broadcast %slice3A_397 : vector<96x1xf32> to vector<96x2000xf32>
    %add3A_401 = arith.addf %dot_general3A_399, %add3A_400 : vector<96x2000xf32>
    %slice3A_402 = vector.extract_strided_slice %slice3A_395 {offsets = [0, 0], sizes = [64, 2000], strides = [1, 1]} : vector<96x2000xf32> to vector<64x2000xf32>
    %slice3A_403 = vector.extract_strided_slice %add3A_401 {offsets = [0, 0], sizes = [64, 2000], strides = [1, 1]} : vector<96x2000xf32> to vector<64x2000xf32>
    %add3A_404 = arith.addf %slice3A_402, %slice3A_403 : vector<64x2000xf32>
    %mul3A_405 = arith.constant 5.000000e-01 : f32
    %mul3A_406 = vector.broadcast %mul3A_405 : f32 to vector<64x2000xf32>
    %mul3A_407 = arith.mulf %mul3A_406, %add3A_404 : vector<64x2000xf32>
    %tanh3A_408 = math.tanh %mul3A_407 : vector<64x2000xf32>
    %mul3A_409 = arith.constant 5.000000e-01 : f32
    %mul3A_410 = vector.broadcast %mul3A_409 : f32 to vector<64x2000xf32>
    %mul3A_411 = arith.mulf %mul3A_410, %tanh3A_408 : vector<64x2000xf32>
    %add3A_412 = arith.constant 5.000000e-01 : f32
    %add3A_413 = vector.broadcast %add3A_412 : f32 to vector<64x2000xf32>
    %add3A_414 = arith.addf %mul3A_411, %add3A_413 : vector<64x2000xf32>
    %slice3A_415 = vector.extract_strided_slice %add3A_414 {offsets = [0, 0], sizes = [32, 2000], strides = [1, 1]} : vector<64x2000xf32> to vector<32x2000xf32>
    %slice3A_416 = vector.extract_strided_slice %add3A_414 {offsets = [32, 0], sizes = [32, 2000], strides = [1, 1]} : vector<64x2000xf32> to vector<32x2000xf32>
    %slice3A_417 = vector.extract_strided_slice %slice3A_395 {offsets = [64, 0], sizes = [32, 2000], strides = [1, 1]} : vector<96x2000xf32> to vector<32x2000xf32>
    %slice3A_418 = vector.extract_strided_slice %add3A_401 {offsets = [64, 0], sizes = [32, 2000], strides = [1, 1]} : vector<96x2000xf32> to vector<32x2000xf32>
    %mul3A_419 = arith.mulf %slice3A_415, %slice3A_418 : vector<32x2000xf32>
    %add3A_420 = arith.addf %slice3A_417, %mul3A_419 : vector<32x2000xf32>
    %tanh3A_421 = math.tanh %add3A_420 : vector<32x2000xf32>
    %sub3A_422 = arith.constant 1.000000e+00 : f32
    %sub3A_423 = vector.broadcast %sub3A_422 : f32 to vector<32x2000xf32>
    %sub3A_424 = arith.subf %sub3A_423, %slice3A_416 : vector<32x2000xf32>
    %mul3A_425 = arith.mulf %sub3A_424, %tanh3A_421 : vector<32x2000xf32>
    %mul3A_426 = arith.mulf %slice3A_416, %select_n3A_358 : vector<32x2000xf32>
    %add3A_427 = arith.addf %mul3A_425, %mul3A_426 : vector<32x2000xf32>
    %broadcast_in_dim3A_428 = vector.shape_cast %and3A_63 : vector<1x2000xi1> to vector<1x2000xi1>
    %broadcast_in_dim3A_429 = vector.broadcast %broadcast_in_dim3A_428 : vector<1x2000xi1> to vector<32x2000xi1>
    %select_n3A_430 = arith.select %broadcast_in_dim3A_429, %add3A_427, %select_n3A_358 : vector<32x2000xi1>, vector<32x2000xf32>
    %slice3A_431 = vector.extract_strided_slice %add3A_40 {offsets = [0, 0], sizes = [96, 2000], strides = [1, 1]} : vector<192x2000xf32> to vector<96x2000xf32>
    %slice3A_432 = vector.extract_strided_slice %get3A_7 {offsets = [0, 0], sizes = [96, 32], strides = [1, 1]} : vector<192x32xf32> to vector<96x32xf32>
    %slice3A_433 = vector.extract_strided_slice %get3A_13 {offsets = [0, 0], sizes = [96, 1], strides = [1, 1]} : vector<192x1xf32> to vector<96x1xf32>
    %dot_general3A_434 = arith.constant dense<0.000000e+00> : vector<96x2000xf32>
    %dot_general3A_435 = tpu.matmul %slice3A_432, %select_n3A_394, %dot_general3A_434 {dimension_numbers = #tpu.dot_dimension_numbers<[1], [0], [0], [1], [0, 0, 1, 1], [], []>, transpose_lhs_hint = false} : vector<96x32xf32>, vector<32x2000xf32>, vector<96x2000xf32> -> vector<96x2000xf32>
    %add3A_436 = vector.broadcast %slice3A_433 : vector<96x1xf32> to vector<96x2000xf32>
    %add3A_437 = arith.addf %dot_general3A_435, %add3A_436 : vector<96x2000xf32>
    %slice3A_438 = vector.extract_strided_slice %slice3A_431 {offsets = [0, 0], sizes = [64, 2000], strides = [1, 1]} : vector<96x2000xf32> to vector<64x2000xf32>
    %slice3A_439 = vector.extract_strided_slice %add3A_437 {offsets = [0, 0], sizes = [64, 2000], strides = [1, 1]} : vector<96x2000xf32> to vector<64x2000xf32>
    %add3A_440 = arith.addf %slice3A_438, %slice3A_439 : vector<64x2000xf32>
    %mul3A_441 = arith.constant 5.000000e-01 : f32
    %mul3A_442 = vector.broadcast %mul3A_441 : f32 to vector<64x2000xf32>
    %mul3A_443 = arith.mulf %mul3A_442, %add3A_440 : vector<64x2000xf32>
    %tanh3A_444 = math.tanh %mul3A_443 : vector<64x2000xf32>
    %mul3A_445 = arith.constant 5.000000e-01 : f32
    %mul3A_446 = vector.broadcast %mul3A_445 : f32 to vector<64x2000xf32>
    %mul3A_447 = arith.mulf %mul3A_446, %tanh3A_444 : vector<64x2000xf32>
    %add3A_448 = arith.constant 5.000000e-01 : f32
    %add3A_449 = vector.broadcast %add3A_448 : f32 to vector<64x2000xf32>
    %add3A_450 = arith.addf %mul3A_447, %add3A_449 : vector<64x2000xf32>
    %slice3A_451 = vector.extract_strided_slice %add3A_450 {offsets = [0, 0], sizes = [32, 2000], strides = [1, 1]} : vector<64x2000xf32> to vector<32x2000xf32>
    %slice3A_452 = vector.extract_strided_slice %add3A_450 {offsets = [32, 0], sizes = [32, 2000], strides = [1, 1]} : vector<64x2000xf32> to vector<32x2000xf32>
    %slice3A_453 = vector.extract_strided_slice %slice3A_431 {offsets = [64, 0], sizes = [32, 2000], strides = [1, 1]} : vector<96x2000xf32> to vector<32x2000xf32>
    %slice3A_454 = vector.extract_strided_slice %add3A_437 {offsets = [64, 0], sizes = [32, 2000], strides = [1, 1]} : vector<96x2000xf32> to vector<32x2000xf32>
    %mul3A_455 = arith.mulf %slice3A_451, %slice3A_454 : vector<32x2000xf32>
    %add3A_456 = arith.addf %slice3A_453, %mul3A_455 : vector<32x2000xf32>
    %tanh3A_457 = math.tanh %add3A_456 : vector<32x2000xf32>
    %sub3A_458 = arith.constant 1.000000e+00 : f32
    %sub3A_459 = vector.broadcast %sub3A_458 : f32 to vector<32x2000xf32>
    %sub3A_460 = arith.subf %sub3A_459, %slice3A_452 : vector<32x2000xf32>
    %mul3A_461 = arith.mulf %sub3A_460, %tanh3A_457 : vector<32x2000xf32>
    %mul3A_462 = arith.mulf %slice3A_452, %select_n3A_394 : vector<32x2000xf32>
    %add3A_463 = arith.addf %mul3A_461, %mul3A_462 : vector<32x2000xf32>
    %broadcast_in_dim3A_464 = vector.shape_cast %and3A_67 : vector<1x2000xi1> to vector<1x2000xi1>
    %broadcast_in_dim3A_465 = vector.broadcast %broadcast_in_dim3A_464 : vector<1x2000xi1> to vector<32x2000xi1>
    %select_n3A_466 = arith.select %broadcast_in_dim3A_465, %add3A_463, %select_n3A_394 : vector<32x2000xi1>, vector<32x2000xf32>
    %slice3A_467 = vector.extract_strided_slice %add3A_25 {offsets = [96, 0], sizes = [96, 2000], strides = [1, 1]} : vector<192x2000xf32> to vector<96x2000xf32>
    %slice3A_468 = vector.extract_strided_slice %get3A_7 {offsets = [96, 0], sizes = [96, 32], strides = [1, 1]} : vector<192x32xf32> to vector<96x32xf32>
    %slice3A_469 = vector.extract_strided_slice %get3A_13 {offsets = [96, 0], sizes = [96, 1], strides = [1, 1]} : vector<192x1xf32> to vector<96x1xf32>
    %dot_general3A_470 = arith.constant dense<0.000000e+00> : vector<96x2000xf32>
    %dot_general3A_471 = tpu.matmul %slice3A_468, %select_n3A_430, %dot_general3A_470 {dimension_numbers = #tpu.dot_dimension_numbers<[1], [0], [0], [1], [0, 0, 1, 1], [], []>, transpose_lhs_hint = false} : vector<96x32xf32>, vector<32x2000xf32>, vector<96x2000xf32> -> vector<96x2000xf32>
    %add3A_472 = vector.broadcast %slice3A_469 : vector<96x1xf32> to vector<96x2000xf32>
    %add3A_473 = arith.addf %dot_general3A_471, %add3A_472 : vector<96x2000xf32>
    %slice3A_474 = vector.extract_strided_slice %slice3A_467 {offsets = [0, 0], sizes = [64, 2000], strides = [1, 1]} : vector<96x2000xf32> to vector<64x2000xf32>
    %slice3A_475 = vector.extract_strided_slice %add3A_473 {offsets = [0, 0], sizes = [64, 2000], strides = [1, 1]} : vector<96x2000xf32> to vector<64x2000xf32>
    %add3A_476 = arith.addf %slice3A_474, %slice3A_475 : vector<64x2000xf32>
    %mul3A_477 = arith.constant 5.000000e-01 : f32
    %mul3A_478 = vector.broadcast %mul3A_477 : f32 to vector<64x2000xf32>
    %mul3A_479 = arith.mulf %mul3A_478, %add3A_476 : vector<64x2000xf32>
    %tanh3A_480 = math.tanh %mul3A_479 : vector<64x2000xf32>
    %mul3A_481 = arith.constant 5.000000e-01 : f32
    %mul3A_482 = vector.broadcast %mul3A_481 : f32 to vector<64x2000xf32>
    %mul3A_483 = arith.mulf %mul3A_482, %tanh3A_480 : vector<64x2000xf32>
    %add3A_484 = arith.constant 5.000000e-01 : f32
    %add3A_485 = vector.broadcast %add3A_484 : f32 to vector<64x2000xf32>
    %add3A_486 = arith.addf %mul3A_483, %add3A_485 : vector<64x2000xf32>
    %slice3A_487 = vector.extract_strided_slice %add3A_486 {offsets = [0, 0], sizes = [32, 2000], strides = [1, 1]} : vector<64x2000xf32> to vector<32x2000xf32>
    %slice3A_488 = vector.extract_strided_slice %add3A_486 {offsets = [32, 0], sizes = [32, 2000], strides = [1, 1]} : vector<64x2000xf32> to vector<32x2000xf32>
    %slice3A_489 = vector.extract_strided_slice %slice3A_467 {offsets = [64, 0], sizes = [32, 2000], strides = [1, 1]} : vector<96x2000xf32> to vector<32x2000xf32>
    %slice3A_490 = vector.extract_strided_slice %add3A_473 {offsets = [64, 0], sizes = [32, 2000], strides = [1, 1]} : vector<96x2000xf32> to vector<32x2000xf32>
    %mul3A_491 = arith.mulf %slice3A_487, %slice3A_490 : vector<32x2000xf32>
    %add3A_492 = arith.addf %slice3A_489, %mul3A_491 : vector<32x2000xf32>
    %tanh3A_493 = math.tanh %add3A_492 : vector<32x2000xf32>
    %sub3A_494 = arith.constant 1.000000e+00 : f32
    %sub3A_495 = vector.broadcast %sub3A_494 : f32 to vector<32x2000xf32>
    %sub3A_496 = arith.subf %sub3A_495, %slice3A_488 : vector<32x2000xf32>
    %mul3A_497 = arith.mulf %sub3A_496, %tanh3A_493 : vector<32x2000xf32>
    %mul3A_498 = arith.mulf %slice3A_488, %select_n3A_430 : vector<32x2000xf32>
    %add3A_499 = arith.addf %mul3A_497, %mul3A_498 : vector<32x2000xf32>
    %broadcast_in_dim3A_500 = vector.shape_cast %and3A_61 : vector<1x2000xi1> to vector<1x2000xi1>
    %broadcast_in_dim3A_501 = vector.broadcast %broadcast_in_dim3A_500 : vector<1x2000xi1> to vector<32x2000xi1>
    %select_n3A_502 = arith.select %broadcast_in_dim3A_501, %add3A_499, %select_n3A_430 : vector<32x2000xi1>, vector<32x2000xf32>
    %slice3A_503 = vector.extract_strided_slice %add3A_45 {offsets = [0, 0], sizes = [96, 2000], strides = [1, 1]} : vector<192x2000xf32> to vector<96x2000xf32>
    %slice3A_504 = vector.extract_strided_slice %get3A_7 {offsets = [0, 0], sizes = [96, 32], strides = [1, 1]} : vector<192x32xf32> to vector<96x32xf32>
    %slice3A_505 = vector.extract_strided_slice %get3A_13 {offsets = [0, 0], sizes = [96, 1], strides = [1, 1]} : vector<192x1xf32> to vector<96x1xf32>
    %dot_general3A_506 = arith.constant dense<0.000000e+00> : vector<96x2000xf32>
    %dot_general3A_507 = tpu.matmul %slice3A_504, %select_n3A_466, %dot_general3A_506 {dimension_numbers = #tpu.dot_dimension_numbers<[1], [0], [0], [1], [0, 0, 1, 1], [], []>, transpose_lhs_hint = false} : vector<96x32xf32>, vector<32x2000xf32>, vector<96x2000xf32> -> vector<96x2000xf32>
    %add3A_508 = vector.broadcast %slice3A_505 : vector<96x1xf32> to vector<96x2000xf32>
    %add3A_509 = arith.addf %dot_general3A_507, %add3A_508 : vector<96x2000xf32>
    %slice3A_510 = vector.extract_strided_slice %slice3A_503 {offsets = [0, 0], sizes = [64, 2000], strides = [1, 1]} : vector<96x2000xf32> to vector<64x2000xf32>
    %slice3A_511 = vector.extract_strided_slice %add3A_509 {offsets = [0, 0], sizes = [64, 2000], strides = [1, 1]} : vector<96x2000xf32> to vector<64x2000xf32>
    %add3A_512 = arith.addf %slice3A_510, %slice3A_511 : vector<64x2000xf32>
    %mul3A_513 = arith.constant 5.000000e-01 : f32
    %mul3A_514 = vector.broadcast %mul3A_513 : f32 to vector<64x2000xf32>
    %mul3A_515 = arith.mulf %mul3A_514, %add3A_512 : vector<64x2000xf32>
    %tanh3A_516 = math.tanh %mul3A_515 : vector<64x2000xf32>
    %mul3A_517 = arith.constant 5.000000e-01 : f32
    %mul3A_518 = vector.broadcast %mul3A_517 : f32 to vector<64x2000xf32>
    %mul3A_519 = arith.mulf %mul3A_518, %tanh3A_516 : vector<64x2000xf32>
    %add3A_520 = arith.constant 5.000000e-01 : f32
    %add3A_521 = vector.broadcast %add3A_520 : f32 to vector<64x2000xf32>
    %add3A_522 = arith.addf %mul3A_519, %add3A_521 : vector<64x2000xf32>
    %slice3A_523 = vector.extract_strided_slice %add3A_522 {offsets = [0, 0], sizes = [32, 2000], strides = [1, 1]} : vector<64x2000xf32> to vector<32x2000xf32>
    %slice3A_524 = vector.extract_strided_slice %add3A_522 {offsets = [32, 0], sizes = [32, 2000], strides = [1, 1]} : vector<64x2000xf32> to vector<32x2000xf32>
    %slice3A_525 = vector.extract_strided_slice %slice3A_503 {offsets = [64, 0], sizes = [32, 2000], strides = [1, 1]} : vector<96x2000xf32> to vector<32x2000xf32>
    %slice3A_526 = vector.extract_strided_slice %add3A_509 {offsets = [64, 0], sizes = [32, 2000], strides = [1, 1]} : vector<96x2000xf32> to vector<32x2000xf32>
    %mul3A_527 = arith.mulf %slice3A_523, %slice3A_526 : vector<32x2000xf32>
    %add3A_528 = arith.addf %slice3A_525, %mul3A_527 : vector<32x2000xf32>
    %tanh3A_529 = math.tanh %add3A_528 : vector<32x2000xf32>
    %sub3A_530 = arith.constant 1.000000e+00 : f32
    %sub3A_531 = vector.broadcast %sub3A_530 : f32 to vector<32x2000xf32>
    %sub3A_532 = arith.subf %sub3A_531, %slice3A_524 : vector<32x2000xf32>
    %mul3A_533 = arith.mulf %sub3A_532, %tanh3A_529 : vector<32x2000xf32>
    %mul3A_534 = arith.mulf %slice3A_524, %select_n3A_466 : vector<32x2000xf32>
    %add3A_535 = arith.addf %mul3A_533, %mul3A_534 : vector<32x2000xf32>
    %broadcast_in_dim3A_536 = vector.shape_cast %and3A_69 : vector<1x2000xi1> to vector<1x2000xi1>
    %broadcast_in_dim3A_537 = vector.broadcast %broadcast_in_dim3A_536 : vector<1x2000xi1> to vector<32x2000xi1>
    %select_n3A_538 = arith.select %broadcast_in_dim3A_537, %add3A_535, %select_n3A_466 : vector<32x2000xi1>, vector<32x2000xf32>
    %slice3A_539 = vector.extract_strided_slice %add3A_20 {offsets = [96, 0], sizes = [96, 2000], strides = [1, 1]} : vector<192x2000xf32> to vector<96x2000xf32>
    %slice3A_540 = vector.extract_strided_slice %get3A_7 {offsets = [96, 0], sizes = [96, 32], strides = [1, 1]} : vector<192x32xf32> to vector<96x32xf32>
    %slice3A_541 = vector.extract_strided_slice %get3A_13 {offsets = [96, 0], sizes = [96, 1], strides = [1, 1]} : vector<192x1xf32> to vector<96x1xf32>
    %dot_general3A_542 = arith.constant dense<0.000000e+00> : vector<96x2000xf32>
    %dot_general3A_543 = tpu.matmul %slice3A_540, %select_n3A_502, %dot_general3A_542 {dimension_numbers = #tpu.dot_dimension_numbers<[1], [0], [0], [1], [0, 0, 1, 1], [], []>, transpose_lhs_hint = false} : vector<96x32xf32>, vector<32x2000xf32>, vector<96x2000xf32> -> vector<96x2000xf32>
    %add3A_544 = vector.broadcast %slice3A_541 : vector<96x1xf32> to vector<96x2000xf32>
    %add3A_545 = arith.addf %dot_general3A_543, %add3A_544 : vector<96x2000xf32>
    %slice3A_546 = vector.extract_strided_slice %slice3A_539 {offsets = [0, 0], sizes = [64, 2000], strides = [1, 1]} : vector<96x2000xf32> to vector<64x2000xf32>
    %slice3A_547 = vector.extract_strided_slice %add3A_545 {offsets = [0, 0], sizes = [64, 2000], strides = [1, 1]} : vector<96x2000xf32> to vector<64x2000xf32>
    %add3A_548 = arith.addf %slice3A_546, %slice3A_547 : vector<64x2000xf32>
    %mul3A_549 = arith.constant 5.000000e-01 : f32
    %mul3A_550 = vector.broadcast %mul3A_549 : f32 to vector<64x2000xf32>
    %mul3A_551 = arith.mulf %mul3A_550, %add3A_548 : vector<64x2000xf32>
    %tanh3A_552 = math.tanh %mul3A_551 : vector<64x2000xf32>
    %mul3A_553 = arith.constant 5.000000e-01 : f32
    %mul3A_554 = vector.broadcast %mul3A_553 : f32 to vector<64x2000xf32>
    %mul3A_555 = arith.mulf %mul3A_554, %tanh3A_552 : vector<64x2000xf32>
    %add3A_556 = arith.constant 5.000000e-01 : f32
    %add3A_557 = vector.broadcast %add3A_556 : f32 to vector<64x2000xf32>
    %add3A_558 = arith.addf %mul3A_555, %add3A_557 : vector<64x2000xf32>
    %slice3A_559 = vector.extract_strided_slice %add3A_558 {offsets = [0, 0], sizes = [32, 2000], strides = [1, 1]} : vector<64x2000xf32> to vector<32x2000xf32>
    %slice3A_560 = vector.extract_strided_slice %add3A_558 {offsets = [32, 0], sizes = [32, 2000], strides = [1, 1]} : vector<64x2000xf32> to vector<32x2000xf32>
    %slice3A_561 = vector.extract_strided_slice %slice3A_539 {offsets = [64, 0], sizes = [32, 2000], strides = [1, 1]} : vector<96x2000xf32> to vector<32x2000xf32>
    %slice3A_562 = vector.extract_strided_slice %add3A_545 {offsets = [64, 0], sizes = [32, 2000], strides = [1, 1]} : vector<96x2000xf32> to vector<32x2000xf32>
    %mul3A_563 = arith.mulf %slice3A_559, %slice3A_562 : vector<32x2000xf32>
    %add3A_564 = arith.addf %slice3A_561, %mul3A_563 : vector<32x2000xf32>
    %tanh3A_565 = math.tanh %add3A_564 : vector<32x2000xf32>
    %sub3A_566 = arith.constant 1.000000e+00 : f32
    %sub3A_567 = vector.broadcast %sub3A_566 : f32 to vector<32x2000xf32>
    %sub3A_568 = arith.subf %sub3A_567, %slice3A_560 : vector<32x2000xf32>
    %mul3A_569 = arith.mulf %sub3A_568, %tanh3A_565 : vector<32x2000xf32>
    %mul3A_570 = arith.mulf %slice3A_560, %select_n3A_502 : vector<32x2000xf32>
    %add3A_571 = arith.addf %mul3A_569, %mul3A_570 : vector<32x2000xf32>
    %broadcast_in_dim3A_572 = vector.shape_cast %and3A : vector<1x2000xi1> to vector<1x2000xi1>
    %broadcast_in_dim3A_573 = vector.broadcast %broadcast_in_dim3A_572 : vector<1x2000xi1> to vector<32x2000xi1>
    %select_n3A_574 = arith.select %broadcast_in_dim3A_573, %add3A_571, %select_n3A_502 : vector<32x2000xi1>, vector<32x2000xf32>
    %slice3A_575 = vector.extract_strided_slice %add3A_50 {offsets = [0, 0], sizes = [96, 2000], strides = [1, 1]} : vector<192x2000xf32> to vector<96x2000xf32>
    %slice3A_576 = vector.extract_strided_slice %get3A_7 {offsets = [0, 0], sizes = [96, 32], strides = [1, 1]} : vector<192x32xf32> to vector<96x32xf32>
    %slice3A_577 = vector.extract_strided_slice %get3A_13 {offsets = [0, 0], sizes = [96, 1], strides = [1, 1]} : vector<192x1xf32> to vector<96x1xf32>
    %dot_general3A_578 = arith.constant dense<0.000000e+00> : vector<96x2000xf32>
    %dot_general3A_579 = tpu.matmul %slice3A_576, %select_n3A_538, %dot_general3A_578 {dimension_numbers = #tpu.dot_dimension_numbers<[1], [0], [0], [1], [0, 0, 1, 1], [], []>, transpose_lhs_hint = false} : vector<96x32xf32>, vector<32x2000xf32>, vector<96x2000xf32> -> vector<96x2000xf32>
    %add3A_580 = vector.broadcast %slice3A_577 : vector<96x1xf32> to vector<96x2000xf32>
    %add3A_581 = arith.addf %dot_general3A_579, %add3A_580 : vector<96x2000xf32>
    %slice3A_582 = vector.extract_strided_slice %slice3A_575 {offsets = [0, 0], sizes = [64, 2000], strides = [1, 1]} : vector<96x2000xf32> to vector<64x2000xf32>
    %slice3A_583 = vector.extract_strided_slice %add3A_581 {offsets = [0, 0], sizes = [64, 2000], strides = [1, 1]} : vector<96x2000xf32> to vector<64x2000xf32>
    %add3A_584 = arith.addf %slice3A_582, %slice3A_583 : vector<64x2000xf32>
    %mul3A_585 = arith.constant 5.000000e-01 : f32
    %mul3A_586 = vector.broadcast %mul3A_585 : f32 to vector<64x2000xf32>
    %mul3A_587 = arith.mulf %mul3A_586, %add3A_584 : vector<64x2000xf32>
    %tanh3A_588 = math.tanh %mul3A_587 : vector<64x2000xf32>
    %mul3A_589 = arith.constant 5.000000e-01 : f32
    %mul3A_590 = vector.broadcast %mul3A_589 : f32 to vector<64x2000xf32>
    %mul3A_591 = arith.mulf %mul3A_590, %tanh3A_588 : vector<64x2000xf32>
    %add3A_592 = arith.constant 5.000000e-01 : f32
    %add3A_593 = vector.broadcast %add3A_592 : f32 to vector<64x2000xf32>
    %add3A_594 = arith.addf %mul3A_591, %add3A_593 : vector<64x2000xf32>
    %slice3A_595 = vector.extract_strided_slice %add3A_594 {offsets = [0, 0], sizes = [32, 2000], strides = [1, 1]} : vector<64x2000xf32> to vector<32x2000xf32>
    %slice3A_596 = vector.extract_strided_slice %add3A_594 {offsets = [32, 0], sizes = [32, 2000], strides = [1, 1]} : vector<64x2000xf32> to vector<32x2000xf32>
    %slice3A_597 = vector.extract_strided_slice %slice3A_575 {offsets = [64, 0], sizes = [32, 2000], strides = [1, 1]} : vector<96x2000xf32> to vector<32x2000xf32>
    %slice3A_598 = vector.extract_strided_slice %add3A_581 {offsets = [64, 0], sizes = [32, 2000], strides = [1, 1]} : vector<96x2000xf32> to vector<32x2000xf32>
    %mul3A_599 = arith.mulf %slice3A_595, %slice3A_598 : vector<32x2000xf32>
    %add3A_600 = arith.addf %slice3A_597, %mul3A_599 : vector<32x2000xf32>
    %tanh3A_601 = math.tanh %add3A_600 : vector<32x2000xf32>
    %sub3A_602 = arith.constant 1.000000e+00 : f32
    %sub3A_603 = vector.broadcast %sub3A_602 : f32 to vector<32x2000xf32>
    %sub3A_604 = arith.subf %sub3A_603, %slice3A_596 : vector<32x2000xf32>
    %mul3A_605 = arith.mulf %sub3A_604, %tanh3A_601 : vector<32x2000xf32>
    %mul3A_606 = arith.mulf %slice3A_596, %select_n3A_538 : vector<32x2000xf32>
    %add3A_607 = arith.addf %mul3A_605, %mul3A_606 : vector<32x2000xf32>
    %broadcast_in_dim3A_608 = vector.shape_cast %and3A_71 : vector<1x2000xi1> to vector<1x2000xi1>
    %broadcast_in_dim3A_609 = vector.broadcast %broadcast_in_dim3A_608 : vector<1x2000xi1> to vector<32x2000xi1>
    %select_n3A_610 = arith.select %broadcast_in_dim3A_609, %add3A_607, %select_n3A_538 : vector<32x2000xi1>, vector<32x2000xf32>
    %slice3A_611 = vector.extract_strided_slice %add3A_15 {offsets = [96, 0], sizes = [96, 2000], strides = [1, 1]} : vector<192x2000xf32> to vector<96x2000xf32>
    %slice3A_612 = vector.extract_strided_slice %get3A_7 {offsets = [96, 0], sizes = [96, 32], strides = [1, 1]} : vector<192x32xf32> to vector<96x32xf32>
    %slice3A_613 = vector.extract_strided_slice %get3A_13 {offsets = [96, 0], sizes = [96, 1], strides = [1, 1]} : vector<192x1xf32> to vector<96x1xf32>
    %dot_general3A_614 = arith.constant dense<0.000000e+00> : vector<96x2000xf32>
    %dot_general3A_615 = tpu.matmul %slice3A_612, %select_n3A_574, %dot_general3A_614 {dimension_numbers = #tpu.dot_dimension_numbers<[1], [0], [0], [1], [0, 0, 1, 1], [], []>, transpose_lhs_hint = false} : vector<96x32xf32>, vector<32x2000xf32>, vector<96x2000xf32> -> vector<96x2000xf32>
    %add3A_616 = vector.broadcast %slice3A_613 : vector<96x1xf32> to vector<96x2000xf32>
    %add3A_617 = arith.addf %dot_general3A_615, %add3A_616 : vector<96x2000xf32>
    %slice3A_618 = vector.extract_strided_slice %slice3A_611 {offsets = [0, 0], sizes = [64, 2000], strides = [1, 1]} : vector<96x2000xf32> to vector<64x2000xf32>
    %slice3A_619 = vector.extract_strided_slice %add3A_617 {offsets = [0, 0], sizes = [64, 2000], strides = [1, 1]} : vector<96x2000xf32> to vector<64x2000xf32>
    %add3A_620 = arith.addf %slice3A_618, %slice3A_619 : vector<64x2000xf32>
    %mul3A_621 = arith.constant 5.000000e-01 : f32
    %mul3A_622 = vector.broadcast %mul3A_621 : f32 to vector<64x2000xf32>
    %mul3A_623 = arith.mulf %mul3A_622, %add3A_620 : vector<64x2000xf32>
    %tanh3A_624 = math.tanh %mul3A_623 : vector<64x2000xf32>
    %mul3A_625 = arith.constant 5.000000e-01 : f32
    %mul3A_626 = vector.broadcast %mul3A_625 : f32 to vector<64x2000xf32>
    %mul3A_627 = arith.mulf %mul3A_626, %tanh3A_624 : vector<64x2000xf32>
    %add3A_628 = arith.constant 5.000000e-01 : f32
    %add3A_629 = vector.broadcast %add3A_628 : f32 to vector<64x2000xf32>
    %add3A_630 = arith.addf %mul3A_627, %add3A_629 : vector<64x2000xf32>
    %slice3A_631 = vector.extract_strided_slice %add3A_630 {offsets = [0, 0], sizes = [32, 2000], strides = [1, 1]} : vector<64x2000xf32> to vector<32x2000xf32>
    %slice3A_632 = vector.extract_strided_slice %add3A_630 {offsets = [32, 0], sizes = [32, 2000], strides = [1, 1]} : vector<64x2000xf32> to vector<32x2000xf32>
    %slice3A_633 = vector.extract_strided_slice %slice3A_611 {offsets = [64, 0], sizes = [32, 2000], strides = [1, 1]} : vector<96x2000xf32> to vector<32x2000xf32>
    %slice3A_634 = vector.extract_strided_slice %add3A_617 {offsets = [64, 0], sizes = [32, 2000], strides = [1, 1]} : vector<96x2000xf32> to vector<32x2000xf32>
    %mul3A_635 = arith.mulf %slice3A_631, %slice3A_634 : vector<32x2000xf32>
    %add3A_636 = arith.addf %slice3A_633, %mul3A_635 : vector<32x2000xf32>
    %tanh3A_637 = math.tanh %add3A_636 : vector<32x2000xf32>
    %sub3A_638 = arith.constant 1.000000e+00 : f32
    %sub3A_639 = vector.broadcast %sub3A_638 : f32 to vector<32x2000xf32>
    %sub3A_640 = arith.subf %sub3A_639, %slice3A_632 : vector<32x2000xf32>
    %mul3A_641 = arith.mulf %sub3A_640, %tanh3A_637 : vector<32x2000xf32>
    %mul3A_642 = arith.mulf %slice3A_632, %select_n3A_574 : vector<32x2000xf32>
    %add3A_643 = arith.addf %mul3A_641, %mul3A_642 : vector<32x2000xf32>
    %broadcast_in_dim3A_644 = vector.shape_cast %slice3A_58 : vector<1x2000xi1> to vector<1x2000xi1>
    %broadcast_in_dim3A_645 = vector.broadcast %broadcast_in_dim3A_644 : vector<1x2000xi1> to vector<32x2000xi1>
    %select_n3A_646 = arith.select %broadcast_in_dim3A_645, %add3A_643, %select_n3A_574 : vector<32x2000xi1>, vector<32x2000xf32>
    %add3A_647 = arith.addf %select_n3A_610, %select_n3A_646 : vector<32x2000xf32>
    %transpose3A = tpu.transpose %add3A_647, [1, 0] : vector<32x2000xf32> -> vector<2000x32xf32>
    %swap3A = arith.constant 0 : index
    %swap3A_648 = arith.constant 0 : index
    %swap3A_649 = vector.load %arg7[%swap3A, %swap3A_648] : memref<2000x32xf32, #tpu.memory_space<vmem>>, vector<2000x32xf32>
    tpu.vector_store %arg7[%swap3A, %swap3A_648], %transpose3A {strides = array<i32>} : memref<2000x32xf32, #tpu.memory_space<vmem>>, vector<2000x32xf32>,
    return
  }
  func.func @transform_0(%arg0: i32) -> (i32, i32) {
    %c0_i32 = arith.constant 0 : i32
    %c0_i32_0 = arith.constant 0 : i32
    return %arg0, %c0_i32 : i32, i32
  }
  func.func @transform_1(%arg0: i32) -> (i32, i32, i32) {
    %c0_i32 = arith.constant 0 : i32
    %c0_i32_0 = arith.constant 0 : i32
    %c0_i32_1 = arith.constant 0 : i32
    return %arg0, %c0_i32, %c0_i32_0 : i32, i32, i32
  }
  func.func @transform_2(%arg0: i32) -> (i32, i32) {
    %c0_i32 = arith.constant 0 : i32
    %c0_i32_0 = arith.constant 0 : i32
    %c0_i32_1 = arith.constant 0 : i32
    return %c0_i32, %c0_i32_0 : i32, i32
  }
  func.func @transform_3(%arg0: i32) -> (i32, i32) {
    %c0_i32 = arith.constant 0 : i32
    %c0_i32_0 = arith.constant 0 : i32
    %c0_i32_1 = arith.constant 0 : i32
    return %c0_i32, %c0_i32_0 : i32, i32
  }
  func.func @transform_4(%arg0: i32) -> (i32, i32) {
    %c0_i32 = arith.constant 0 : i32
    %c0_i32_0 = arith.constant 0 : i32
    %c0_i32_1 = arith.constant 0 : i32
    return %c0_i32, %c0_i32_0 : i32, i32
  }
  func.func @transform_5(%arg0: i32) -> (i32, i32) {
    %c0_i32 = arith.constant 0 : i32
    %c0_i32_0 = arith.constant 0 : i32
    %c0_i32_1 = arith.constant 0 : i32
    return %c0_i32, %c0_i32_0 : i32, i32
  }
  func.func @transform_6(%arg0: i32) -> (i32, i32) {
    %c0_i32 = arith.constant 0 : i32
    %c0_i32_0 = arith.constant 0 : i32
    return %arg0, %c0_i32 : i32, i32
  }
}

</mosaic_0001>

<sc_bundles>
// kernel: sparse-core-data-format-call.cloned.1.call-start
scs
called_computation_lowered:
.L_overlay_start_0:
0x0: {  	s2 =	sld [smem:$0x3FD9]  }
0x1: {  	s3 =	sld [smem:$0x3FFE];
	_ =	sdelay $0x1  }
0x2: {  	s1 =	srdreg.scid  }
0x3: {  	s0 =	sand.u32 $0x1, s1  }
0x4: {  	s18 =	sshll.u32 s0, $0xA;
	s2 =	sadd.s32 s3, s2  }
0x5: {  	s2 =	sadd.s32 s2, s18  }
0x6: {  	[smem:$0x3FBE] =	sst s2  }
0x7: {  	_ = 	snop  }
0x8: {  	s2 =	sld [smem:$0x3FC9];
	(tm) =	ssettm $0x1  }
0x9: {  	s19 =	sld [smem:$0x3FFB];
	_ =	sdelay $0x3  }
0xa: {  	_ =	strace s19  }
0xb: {  	s3 =	sld [smem:$0x3FFC];
	_ =	sdelay $0x3  }
0xc: {  	_ =	strace s3  }
0xd: {  	s3 =	sld [smem:$0x3FFD];
	_ =	sdelay $0x3  }
0xe: {  	_ =	strace s3  }
0xf: {  	_ =	strace $0x8FFFFFFF  }
0x10: {  	s20 =	sld [smem:$0x3FDB];
	_ =	sdelay $0x1  }
0x11: {  	s4 =	simm.s32 $_scs_section_size  }
0x12: {  	s5 =	simm.s32 $_size__tile_overlayer_lowered;
	s6 =	simm.s32 $_tile_overlayer_lowered  }
0x13: {  	s23 =	simm.s32 $0x1BFF;
	s22 =	sshll.u32 s6, $0x1;
	s3 =	sadd.s32 s4, s20  }
0x14: {  	s7 =	simm.s32 $0x0;
	s21 =	sshll.u32 s5, $0x1;
	s5 =	sadd.s32 s22, s3  }
0x15: {  	[timem:s7], [sflag:s23] =	dma.local [hbm:s5], s21  }
0x16: {  	_ =	swait.ge [sflag:s23], s21  }
0x17: {  	s4 =	ssub.s32 $0x0, s21;
	[sflag:s23] =	ssyncset.done $0x0  }
0x18: {  	[sflag:s23] =	ssyncadd.s32 s4;
	_ =	sdelay $0x1  }
0x19: {  	s24 =	simm.s32 $0x1B8B  }
0x1a: {  	_ =	swait.ge [sflag:s24], $0x1  }
0x1b: {  	[sflag:s24] =	ssyncset.done $0x0  }
0x1c: {  	s26 =	simm.s32 $0x1B8E;
	s25 =	sld [smem:$0x3FFE];
	[sflag:s24] =	ssyncadd.s32 $0xFFFFFFFF  }
0x1d: {  	s27 =	simm.s32 $execute0_lowered;
	[smem:$0x3FD2] =	sst s26  }
0x1e: {  	s5 =	sshll.u32 s27, $0x1;
	_ =	strace $0x80000046;
	[dreg:$0x1] =	wrdreg $0xFFFFFFFF  }
0x1f: {  	s28 =	simm.s32 $_size_execute0_lowered;
	s3 =	sadd.s32 s3, s5;
	[dreg:$0x0] =	wrdreg $0x0  }
0x20: {  	s5 =	sshll.u32 s28, $0x1;
	[dreg:$0x2] =	wrdreg s3  }
0x21: {  	[dreg:$0x3] =	wrdreg s5  }
0x22: {  	[dreg:$0x4] =	wrdreg $0xC0  }
0x23: {  	_ =	task [dreg:s7], $0x5FFFF  }
0x24: {  	[dreg:$0x1] =	wrdreg $0xFFFFFFFF  }
0x25: {  	[dreg:$0x0] =	wrdreg $0x60  }
0x26: {  	[dreg:$0x2] =	wrdreg s2  }
0x27: {  	[dreg:$0x3] =	wrdreg s25  }
0x28: {  	[dreg:$0x4] =	wrdreg $0x9  }
0x29: {  	_ =	task.clear_ibuf [dreg:s7], $0x5FFFF;
	_ =	strace $0x90000046  }
0x2a: {  	s29 =	simm.s32 $0x9;
	_ =	strace $0x80000048  }
0x2b: {  	_ =	swait.ge [sflag:s29], $0x1  }
0x2c: {  	[sflag:s29] =	ssyncadd.s32 $0xFFFFFFFF  }
0x2d: {  	_ =	strace $0x90000048  }
0x2e: {  	_ =	sfence  }
0x2f: {  	s30 =	sld [smem:$0x0];
	_ =	sdelay $0x2  }
0x30: {  	s31 =	sshll.u32 s1, $0xD;
	s1 =	sshrl.u32 s1, $0x2  }
0x31: {  	s3 =	sand.u32 $0x4000, s31;
	s1 =	sadd.s32 s1, s30  }
0x32: {  	s0 =	sor.u32 s3, s0;
	s1 =	sshll.u32 s1, $0x11  }
0x33: {  	s0 =	sor.u32 s1, s0  }
0x34: {  	s0 =	sadd.s32 $0x8F2B, s0  }
0x35: {  	[sflag:s0] =	ssyncadd.remote.s32 $0x1  }
0x36: {  	_ =	sfence.sel $0xFFFF  }
0x37: {  	[dreg:$0x0] =	wrdreg $0xFFFFFFFF;
	(pc) =	sbr.abs _section_cstart, $3  }
0x38: {  	[dreg:$0x1] =	wrdreg $0xFFFFFFFF  }
0x39: {  	_ =	task.clear_ibuf [dreg:s7], $0x2FFFF;
	_ =	strace $0x9FFFFFFF  }
0x3a: {  	(tm) =	ssettm $0x7FFFFFFF  }
0x3b: {  	_ =	shalt  }
tec
execute0_lowered:
.L_overlay_start_1:
0x0: {  	(tag) =	ssettag $0x1  }
0x1: {  	s0 =	srdreg.scid  }
0x2: {  	s1 =	sshll.u32 s0, $0x4  }
0x3: {  	s2 =	rddreg [dreg:$0x0];
	s0 =	stileid.u32;
	s1 =	sand.u32 $0x10, s1  }
0x4: {  	s4 =	rddreg [dreg:$0x1];
	s7 =	simm.s32 $0x1;
	s1 =	sor.u32 s0, s1  }
0x5: {  	s8 =	simm.s32 $0x2;
	s9 =	simm.s32 $0x0;
	s3 =	sshll.u32 s1, $0x1  }
0x6: {  	s12 =	simm.s32 $0x0;
	s11 =	simm.s32 $0x0;
	s6 =	ssub.s32 $0x30D4, s3  }
.Ltmp0:
0x7: {  	s4 =	sadd.s32 $0x1600, s4;
	s5 =	sand.u32 $0x3E, s6;
	(pc) =	sbr.rel .LBB1_1-.Ltmp0, $4  }
0x8: {  	s1 =	rddreg [dreg:$0x2];
	_ =	strace $0x80000047;
	p0 =	sne.s32 s5, $0x0  }
0x9: {  	s6 =	sshrl.u32 s6, $0x6;
	s5 =	simm.s32 $0x1;
	s7 =	simm.s32 @!p0 $0x0  }
0xa: {  	s10 =	smov.u32 s3;
	[sflag:s5] =	ssyncpa.u1 $0x0;
	s6 =	sadd.s32 s7, s6  }
0xb: {  	[sflag:s8] =	ssyncpa.u1 $0x0;
	s8 =	simm.s32 $0x0;
	s7 =	sadd.s32 $0x1, s6  }
.LBB1_9:
0xc: {  	s14 =	sadd.s32 $0x40, s10  }
0xd: {  	p1 =	sgt.s32 s14, $0x30D3  }
0xe: {  	s14 =	smov.u32 @p1 s3;
	p1 =	sne.s32 s11, s7  }
.Ltmp1:
0xf: {  	p0 =	slt.u32 s11, $0x2;
	(pc) =	sbr.rel @!p1 .LBB1_10-.Ltmp1, $4  }
0x10: {  	s13 =	simm.s32 @!p0 $0x2  }
0x11: {  	s15 =	sadd.s32 $0x1, s11;
	_ =	swait.ge @!p0 [sflag:s13], $0x4000  }
0x12: {  	s12 =	smov.u32 s10;
	s9 =	sadd.s32 $0x4000, s9;
	[sflag:s13] =	ssyncset.done @!p0 $0x0  }
0x13: {  	s11 =	smov.u32 s15;
	s10 =	smov.u32 s14;
	[sflag:s13] =	ssyncadd.s32 @!p0 $0xFFFFC000  }
.LBB1_1:
0x14: {  	p0 =	sge.u32 s11, s6  }
0x15: {  	s13 =	sxor.u32 @!p0 $0xFFFFFFFF, s11  }
0x16: {  	s31 =	sadd.s32 $0xFFFFFFFF, s11;
	s14 =	sshll.u32 @!p0 s10, $0xA;
	s13 =	sshll.u32 @!p0 s13, $0xE  }
0x17: {  	s15 =	simm.s32 @!p0 $0x0;
	s14 =	sadd.s32 @!p0 s2, s14;
	s13 =	sand.u32 @!p0 $0x4000, s13  }
0x18: {  	[tilespmem:s13], [sflag:$0x1] =	stream.linear.gather @!p0 [hbm4b:s14+s15], $0x4000, $0x38;
	[tilespmem:$0x10000] =	vst v63  }
0x19: {  	p0 =	sge.u32 s31, s6  }
.Ltmp2:
0x1a: {  	_ = 	snop;
	(pc) =	sbr.rel @p0 .LBB1_9-.Ltmp2, $1  }
0x1b: {  	_ =	sdelay $0x3  }
0x1c: {  	s13 =	sshll.u32 s9, $0x2  }
0x1d: {  	_ =	swait.ge [sflag:s5], $0x4000;
	s14 =	sshll.u32 s11, $0xE;
	s16 =	simm.s32 $0x0  }
0x1e: {  	p1 =	por $0x1, $0x1;
	s13 =	sand.u32 $0x10000, s13;
	[sflag:s5] =	ssyncset.done $0x0  }
0x1f: {  	s14 =	sand.u32 $0x4000, s14;
	s15 =	sshrl.u32 s13, $0x2;
	[sflag:s5] =	ssyncadd.s32 $0xFFFFC000  }
0x20: {  	s13 =	sor.u32 $0x8000, s14;
	s14 =	sadd.s32 $0x8040, s15;
	s15 =	sadd.s32 $0x40, s15  }
.LBB1_3:
0x21: {  	s16 =	sshll.u32 s16, $0x2  }
0x22: {  	p0 =	por p1, p1;
	s17 =	sshra.s32 s16, $0x2  }
0x23: {  	s18 =	simm.s32 $0x0;
	s16 =	sadd.s32 s17, s14;
	s17 =	sadd.s32 s17, s15  }
.LBB1_4:
0x24: {  	v0 =	vmov s17;
	_ =	sdelay $0x3  }
0x25: {  	s20 =	simm.s32 $0x0  }
0x26: {  	v6 =	vld.idx.msk [tilespmem:v0+s20+$0x30 ss:$0x1], $0xffff  }
0x27: {  	v7 =	vld.idx.msk [tilespmem:v0+s20+$0xFFFFFFC0 ss:$0x1], $0xffff  }
0x28: {  	v5 =	vld.idx.msk [tilespmem:v0+s20+$0xFFFFFFD0 ss:$0x1], $0xffff  }
0x29: {  	v4 =	vld.idx.msk [tilespmem:v0+s20+$0xFFFFFFE0 ss:$0x1], $0xffff  }
0x2a: {  	v3 =	vld.idx.msk [tilespmem:v0+s20+$0xFFFFFFF0 ss:$0x1], $0xffff  }
0x2b: {  	v1 =	vld.idx.msk [tilespmem:v0+s20+$0x0 ss:$0x1], $0xffff  }
0x2c: {  	v2 =	vld.idx.msk [tilespmem:v0+s20+$0x10 ss:$0x1], $0xffff;
	[tilespmem:s16+$0x30] =	vst v6  }
0x2d: {  	s19 =	simm.s32 $0x80;
	s21 =	simm.s32 $0x400;
	[tilespmem:s16+$0xFFFFFFC0] =	vst v7;
	v6 =	vld.idx.msk [tilespmem:v0+s20+$0x20 ss:$0x1], $0xffff;
	s20 =	smov.u32 s16  }
.LBB1_5:
0x2e: {  	p1 =	sne.s32 s21, $0xE00;
	v7 =	vld.idx.msk [tilespmem:v0+s19+$0x30 ss:$0x1], $0xffff;
	[tilespmem:s20+$0xFFFFFFD0] =	vst v5  }
0x2f: {  	v8 =	vld.idx.msk [tilespmem:v0+s19+$0xFFFFFFC0 ss:$0x1], $0xffff;
	[tilespmem:s20+$0xFFFFFFE0] =	vst v4  }
0x30: {  	v5 =	vld.idx.msk [tilespmem:v0+s19+$0xFFFFFFD0 ss:$0x1], $0xffff;
	[tilespmem:s20+$0xFFFFFFF0] =	vst v3  }
.Ltmp3:
0x31: {  	v4 =	vld.idx.msk [tilespmem:v0+s19+$0xFFFFFFE0 ss:$0x1], $0xffff;
	[tilespmem:s20+$0x0] =	vst v1;
	(pc) =	sbr.rel @p1 .LBB1_5-.Ltmp3, $4  }
0x32: {  	v3 =	vld.idx.msk [tilespmem:v0+s19+$0xFFFFFFF0 ss:$0x1], $0xffff;
	[tilespmem:s20+$0x10] =	vst v2  }
0x33: {  	v1 =	vld.idx.msk [tilespmem:v0+s19+$0x0 ss:$0x1], $0xffff;
	[tilespmem:s20+$0x20] =	vst v6;
	s20 =	sadd.s32 $0x400, s20  }
0x34: {  	v2 =	vld.idx.msk [tilespmem:v0+s19+$0x10 ss:$0x1], $0xffff;
	[tilespmem:s20+$0x30] =	vst v7  }
0x35: {  	[tilespmem:s20+$0xFFFFFFC0] =	vst v8;
	v6 =	vld.idx.msk [tilespmem:v0+s19+$0x20 ss:$0x1], $0xffff;
	s19 =	sshra.s32 s21, $0x2;
	s21 =	sadd.s32 $0x200, s21  }
0x36: {  	_ =	sdelay $0x2  }
0x37: {  	[tilespmem:s20+$0xFFFFFFD0] =	vst v5  }
0x38: {  	v56 =	vld.idx.msk [tilespmem:v0+s19+$0x30 ss:$0x1], $0xffff;
	[tilespmem:s20+$0xFFFFFFE0] =	vst v4  }
0x39: {  	v57 =	vld.idx.msk [tilespmem:v0+s19+$0xFFFFFFC0 ss:$0x1], $0xffff;
	[tilespmem:s20+$0xFFFFFFF0] =	vst v3  }
0x3a: {  	v58 =	vld.idx.msk [tilespmem:v0+s19+$0xFFFFFFD0 ss:$0x1], $0xffff;
	[tilespmem:s20+$0x0] =	vst v1  }
0x3b: {  	v59 =	vld.idx.msk [tilespmem:v0+s19+$0xFFFFFFE0 ss:$0x1], $0xffff;
	[tilespmem:s20+$0x10] =	vst v2  }
0x3c: {  	v60 =	vld.idx.msk [tilespmem:v0+s19+$0xFFFFFFF0 ss:$0x1], $0xffff;
	s31 =	sadd.s32 $0x400, s20;
	[tilespmem:s20+$0x20] =	vst v6  }
0x3d: {  	v61 =	vld.idx.msk [tilespmem:v0+s19+$0x0 ss:$0x1], $0xffff;
	[tilespmem:s31+$0x30] =	vst v56  }
0x3e: {  	v62 =	vld.idx.msk [tilespmem:v0+s19+$0x10 ss:$0x1], $0xffff;
	s18 =	sadd.s32 $0x1, s18;
	[tilespmem:s31+$0xFFFFFFC0] =	vst v57  }
0x3f: {  	v63 =	vld.idx.msk [tilespmem:v0+s19+$0x20 ss:$0x1], $0xffff;
	p1 =	sne.s32 s18, $0x8;
	[tilespmem:s31+$0xFFFFFFD0] =	vst v58  }
.Ltmp4:
0x40: {  	[tilespmem:s31+$0xFFFFFFE0] =	vst v59;
	(pc) =	sbr.rel @p1 .LBB1_4-.Ltmp4, $4  }
0x41: {  	[tilespmem:s31+$0xFFFFFFF0] =	vst v60  }
0x42: {  	[tilespmem:s31+$0x0] =	vst v61  }
0x43: {  	[tilespmem:s31+$0x10] =	vst v62  }
0x44: {  	s16 =	sadd.s32 $0x80, s16;
	s17 =	sadd.s32 $0x400, s17;
	[tilespmem:s31+$0x20] =	vst v63  }
.Ltmp5:
0x45: {  	(pc) =	sbr.rel @p0 .LBB1_3-.Ltmp5, $2  }
0x46: {  	_ =	sdelay $0x2  }
0x47: {  	s16 =	simm.s32 $0x2000;
	p1 =	por $0x0, $0x0  }
.Ltmp6:
0x48: {  	(pc) =	sbr.rel .LBB1_9-.Ltmp6, $4  }
0x49: {  	_ = 	snop  }
0x4a: {  	s12 =	sshll.u32 s12, $0xA  }
0x4b: {  	s12 =	sadd.s32 s4, s12  }
0x4c: {  	[hbm4b:s12+s8] =	stream.linear.scatter [tilespmem:s13], [sflag:$0x2], $0x4000, $0x38;
	[tilespmem:$0x10000] =	vst v63  }
.LBB1_10:
0x4d: {  	_ =	sfence.sel $0x180000  }
0x4e: {  	s2 =	simm.s32 $0x1;
	[bflag:$0x0] =	sbarrier.arrive $0xFFFF  }
0x4f: {  	s31 =	simm.s32 $0x2;
	[sflag:s2] =	ssyncpa.u1 $0x1  }
0x50: {  	[sflag:s31] =	ssyncpa.u1 $0x1  }
0x51: {  	p0 =	sne.s32 s0, $0x0;
	_ =	strace $0x90000047  }
0x52: {  	s0 =	sadd.s32 @!p0 $0x100000, s1;
	[bflag:$0x2] =	sbarrier.arrive $0xFFFF  }
0x53: {  	[sflag:s0] =	ssyncadd.tile.s32 @!p0 $0x1;
	_ =	shalt  }
.Lfunc_end1:
_tile_overlayer_lowered:
.L_overlay_start_2:
0x54: {  	(tag) =	ssettag $0x2  }
0x55: {  	s0 =	rddreg [dreg:$0x0];
	s2 =	stileid.u32  }
0x56: {  	s1 =	rddreg [dreg:$0x1];
	p0 =	sne.s32 s2, $0x0  }
0x57: {  	s3 =	rddreg [dreg:$0x2];
	[bflag:$0x3] =	sbarrier.arrive $0xFFFF;
	s2 =	simm.s32 @!p0 $0x1C01  }
0x58: {  	[timem:s3], [sflag:s2] =	dma.local @!p0 [hbm:s0], s1  }
0x59: {  	s0 =	simm.s32 @!p0 $0x1  }
0x5a: {  	_ =	swait.ge @!p0 [sflag:s0], s1  }
0x5b: {  	s1 =	ssub.s32 @!p0 $0x0, s1;
	[sflag:s0] =	ssyncset.done @!p0 $0x0  }
0x5c: {  	[sflag:s0] =	ssyncadd.s32 @!p0 s1  }
0x5d: {  	[bflag:$0x3] =	sbarrier.arrive $0xFFFF  }
0x5e: {  	_ =	shalt  }

</sc_bundles>
